<compile_context>
chip_gen: v7x
topology: tpu7x:2x2x1
jax: 0.10.2.dev20260603
libtpu: 0.0.44.dev20260713+nightly
codegen_flags: <defaults>
</compile_context>

<pallas_src>
import functools

import jax
import jax.numpy as jnp
from jax import lax
from jax.experimental import pallas as pl
from jax.experimental.pallas import tpu as pltpu
from jax.experimental.pallas import tpu_sc as plsc

B = 16384
F = 26
NC = 2
NS = 16
NW = NC * NS
BPW = B // NW
CHUNKS = BPW // 16
VOCAB_PAD = 1000448
GROUPS = [range(0, 4), range(4, 8), range(8, 11), range(11, 14),
          range(14, 17), range(17, 20), range(20, 23), range(23, 26)]


def _lr_kernel(x_hbm, t_hbm, bias_hbm, out_hbm, idx_v, vals_v, acc_v,
               bias_v, sem_i, sem_g):
    wid = lax.axis_index("s") * NC + lax.axis_index("c")
    base = wid * BPW

    pltpu.sync_copy(bias_hbm, bias_v)
    idx_copies = [
        pltpu.async_copy(
            x_hbm.at[f, pl.ds(base, BPW)],
            idx_v.at[pl.ds(f * BPW, BPW)],
            sem_i[g],
        )
        for g, fs in enumerate(GROUPS)
        for f in fs
    ]
    gathers = []
    k = 0
    for g, fs in enumerate(GROUPS):
        for _ in fs:
            idx_copies[k].wait()
            k += 1
        for f in fs:
            gathers.append(
                pltpu.async_copy(
                    t_hbm.at[idx_v.at[pl.ds(f * BPW, BPW)]],
                    vals_v.at[pl.ds(f * BPW, BPW)],
                    sem_g[g],
                ))

    bias_vec = bias_v[...]

    k = 0
    for g, fs in enumerate(GROUPS):
        for _ in fs:
            gathers[k].wait()
            k += 1

        def group_body(c, _, g=g, fs=fs):
            col = c * 16
            sl = pl.ds(col, 16)
            acc = bias_vec if g == 0 else acc_v[sl]
            for f in fs:
                acc = acc + vals_v[pl.ds(f * BPW + col, 16)]
            acc_v[sl] = acc
            return 0

        lax.fori_loop(0, CHUNKS, group_body, 0)

    pltpu.sync_copy(acc_v, out_hbm.at[pl.ds(base, BPW)])


@jax.jit
def _lr(x_t, t_flat, bias16):
    mesh = plsc.VectorSubcoreMesh(core_axis_name="c", subcore_axis_name="s",
                                  num_cores=NC)
    f = functools.partial(
        pl.kernel,
        out_type=jax.ShapeDtypeStruct((B,), jnp.float32),
        mesh=mesh,
        scratch_types=[
            pltpu.VMEM((F * BPW,), jnp.int32),
            pltpu.VMEM((F * BPW,), jnp.float32),
            pltpu.VMEM((BPW,), jnp.float32),
            pltpu.VMEM((16,), jnp.float32),
            [pltpu.SemaphoreType.DMA] * len(GROUPS),
            [pltpu.SemaphoreType.DMA] * len(GROUPS),
        ],
        compiler_params=pltpu.CompilerParams(needs_layout_passes=False),
    )(_lr_kernel)
    return f(x_t, t_flat, bias16)


def kernel(X, table, bias):
    x_t = X.T
    t_flat = jnp.pad(table, ((0, VOCAB_PAD - 1000000), (0, 0))).reshape(-1)
    bias16 = jnp.broadcast_to(bias, (16,))
    out = _lr(x_t, t_flat, bias16)
    return out.reshape(B, 1)

# --- scband reference (transcript-rebuilt; emitter-appended) ---
"""Pipeline reference for scband-lr-layer-1434519077101 (READ-ONLY COPY).

The authoritative reference and input builder live on the scoring server;
editing this copy changes nothing except your own understanding.
"""

import jax, jax.numpy as jnp
import numpy as np

BATCH = 16384
NUM_FIELDS = 26
VOCAB = 1000000

def setup_inputs(seed: int = 0) -> dict:
    key = jax.random.key(seed)
    k1, k2 = jax.random.split(key)
    X = jax.random.randint(k1, (BATCH, NUM_FIELDS), 0, VOCAB, dtype=jnp.int32)
    # LR layer embedding table: embedding_dim = 1 (per-feature scalar weight)
    table = jax.random.normal(k2, (VOCAB, 1), dtype=jnp.float32) * 0.01
    bias = jnp.zeros((1,), dtype=jnp.float32)
    return {"X": X, "table": table, "bias": bias}

def reference(X, table, bias):
    # embedding lookup: [B, F] -> [B, F, 1]
    embed_weights = jnp.take(table, X, axis=0)
    # sum over field dimension: [B, 1]
    output = embed_weights.sum(axis=1)
    # use_bias=True
    output = output + bias
    # output_activation is None -> identity
    return output

if __name__ == "__main__":
    import jax
    _d = setup_inputs()
    print(jax.jit(kernel)(*tuple(_d.values())))

</pallas_src>

<mosaic_0001>
#map = affine_map<(d0, d1) -> (0, 0)>
#map1 = affine_map<(d0, d1) -> (0)>
module attributes {stable_mosaic.version = 14 : i64} {
  func.func @_lr_kernel(%arg0: i32, %arg1: i32, %arg2: memref<26x16384xi32, #tpu.memory_space<hbm>>, %arg3: memref<1000448xf32, #tpu.memory_space<hbm>>, %arg4: memref<16xf32, #tpu.memory_space<hbm>>, %arg5: memref<16384xf32, #tpu.memory_space<hbm>>, %arg6: memref<13312xi32, #tpu.memory_space<vmem>>, %arg7: memref<13312xf32, #tpu.memory_space<vmem>>, %arg8: memref<512xf32, #tpu.memory_space<vmem>>, %arg9: memref<16xf32, #tpu.memory_space<vmem>>, %arg10: memref<!tpu.dma_semaphore, #tpu.memory_space<semaphore_mem>>, %arg11: memref<!tpu.dma_semaphore, #tpu.memory_space<semaphore_mem>>, %arg12: memref<!tpu.dma_semaphore, #tpu.memory_space<semaphore_mem>>, %arg13: memref<!tpu.dma_semaphore, #tpu.memory_space<semaphore_mem>>, %arg14: memref<!tpu.dma_semaphore, #tpu.memory_space<semaphore_mem>>, %arg15: memref<!tpu.dma_semaphore, #tpu.memory_space<semaphore_mem>>, %arg16: memref<!tpu.dma_semaphore, #tpu.memory_space<semaphore_mem>>, %arg17: memref<!tpu.dma_semaphore, #tpu.memory_space<semaphore_mem>>, %arg18: memref<!tpu.dma_semaphore, #tpu.memory_space<semaphore_mem>>, %arg19: memref<!tpu.dma_semaphore, #tpu.memory_space<semaphore_mem>>, %arg20: memref<!tpu.dma_semaphore, #tpu.memory_space<semaphore_mem>>, %arg21: memref<!tpu.dma_semaphore, #tpu.memory_space<semaphore_mem>>, %arg22: memref<!tpu.dma_semaphore, #tpu.memory_space<semaphore_mem>>, %arg23: memref<!tpu.dma_semaphore, #tpu.memory_space<semaphore_mem>>, %arg24: memref<!tpu.dma_semaphore, #tpu.memory_space<semaphore_mem>>, %arg25: memref<!tpu.dma_semaphore, #tpu.memory_space<semaphore_mem>>) attributes {dimension_semantics = [#tpu.dimension_semantics<core_parallel>, #tpu.dimension_semantics<subcore_parallel>], iteration_bounds = array<i64: 2, 16>, scalar_prefetch = 0 : i64, scratch_operands = 20 : i64, tpu.core_type = #tpu.core_type<sc_vector_subcore>, window_params = [{transform_indices = #map}, {transform_indices = #map1}, {transform_indices = #map1}, {transform_indices = #map1}]} {
    %mul3A = arith.constant 2 : i32
    %mul3A_0 = arith.muli %arg1, %mul3A : i32
    %add3A = arith.addi %mul3A_0, %arg0 : i32
    %mul3A_1 = arith.constant 512 : i32
    %mul3A_2 = arith.muli %add3A, %mul3A_1 : i32
    "tpu.region"() ({
      %run_scoped3A = tpu.sem_alloc : memref<!tpu.dma_semaphore, #tpu.memory_space<semaphore_mem>>
      tpu.enqueue_dma source(%arg4 : memref<16xf32, #tpu.memory_space<hbm>>) target(%arg9 : memref<16xf32, #tpu.memory_space<vmem>>) target_semaphore(%run_scoped3A : memref<!tpu.dma_semaphore, #tpu.memory_space<semaphore_mem>>)
      tpu.wait_dma2 semaphore(%run_scoped3A : memref<!tpu.dma_semaphore, #tpu.memory_space<semaphore_mem>>) src(%arg4 : memref<16xf32, #tpu.memory_space<hbm>>) dst(%arg9 : memref<16xf32, #tpu.memory_space<vmem>>)
      tpu.yield
    }) : () -> ()
    %dma_start3A = arith.constant 0 : i32
    %dma_start3A_3 = arith.constant 0 : i32
    %dma_start3A_4 = tpu.memref_slice %arg6[%dma_start3A_3] : memref<13312xi32, #tpu.memory_space<vmem>> -> memref<512xi32, #tpu.memory_space<vmem>>
    %dma_start3A_5 = tpu.memref_slice %arg2[%dma_start3A, %mul3A_2] : memref<26x16384xi32, #tpu.memory_space<hbm>> -> memref<1x512xi32, #tpu.memory_space<hbm>>
    %dma_start3A_6 = tpu.memref_squeeze %dma_start3A_5 : memref<1x512xi32, #tpu.memory_space<hbm>> -> memref<512xi32, #tpu.memory_space<hbm>>
    %dma_start3A_7 = arith.constant 0 : i32
    %dma_start3A_8 = tpu.memref_slice %arg6[%dma_start3A_7] : memref<13312xi32, #tpu.memory_space<vmem>> -> memref<512xi32, #tpu.memory_space<vmem>>
    %dma_start3A_9 = tpu.memref_slice %arg2[%dma_start3A, %mul3A_2] : memref<26x16384xi32, #tpu.memory_space<hbm>> -> memref<1x512xi32, #tpu.memory_space<hbm>>
    %dma_start3A_10 = tpu.memref_squeeze %dma_start3A_9 : memref<1x512xi32, #tpu.memory_space<hbm>> -> memref<512xi32, #tpu.memory_space<hbm>>
    tpu.enqueue_dma source(%dma_start3A_10 : memref<512xi32, #tpu.memory_space<hbm>>) target(%dma_start3A_8 : memref<512xi32, #tpu.memory_space<vmem>>) target_semaphore(%arg10 : memref<!tpu.dma_semaphore, #tpu.memory_space<semaphore_mem>>)
    %dma_start3A_11 = arith.constant 1 : i32
    %dma_start3A_12 = arith.constant 512 : i32
    %dma_start3A_13 = tpu.memref_slice %arg6[%dma_start3A_12] : memref<13312xi32, #tpu.memory_space<vmem>> -> memref<512xi32, #tpu.memory_space<vmem>>
    %dma_start3A_14 = tpu.memref_slice %arg2[%dma_start3A_11, %mul3A_2] : memref<26x16384xi32, #tpu.memory_space<hbm>> -> memref<1x512xi32, #tpu.memory_space<hbm>>
    %dma_start3A_15 = tpu.memref_squeeze %dma_start3A_14 : memref<1x512xi32, #tpu.memory_space<hbm>> -> memref<512xi32, #tpu.memory_space<hbm>>
    %dma_start3A_16 = arith.constant 512 : i32
    %dma_start3A_17 = tpu.memref_slice %arg6[%dma_start3A_16] : memref<13312xi32, #tpu.memory_space<vmem>> -> memref<512xi32, #tpu.memory_space<vmem>>
    %dma_start3A_18 = tpu.memref_slice %arg2[%dma_start3A_11, %mul3A_2] : memref<26x16384xi32, #tpu.memory_space<hbm>> -> memref<1x512xi32, #tpu.memory_space<hbm>>
    %dma_start3A_19 = tpu.memref_squeeze %dma_start3A_18 : memref<1x512xi32, #tpu.memory_space<hbm>> -> memref<512xi32, #tpu.memory_space<hbm>>
    tpu.enqueue_dma source(%dma_start3A_19 : memref<512xi32, #tpu.memory_space<hbm>>) target(%dma_start3A_17 : memref<512xi32, #tpu.memory_space<vmem>>) target_semaphore(%arg10 : memref<!tpu.dma_semaphore, #tpu.memory_space<semaphore_mem>>)
    %dma_start3A_20 = arith.constant 2 : i32
    %dma_start3A_21 = arith.constant 1024 : i32
    %dma_start3A_22 = tpu.memref_slice %arg6[%dma_start3A_21] : memref<13312xi32, #tpu.memory_space<vmem>> -> memref<512xi32, #tpu.memory_space<vmem>>
    %dma_start3A_23 = tpu.memref_slice %arg2[%dma_start3A_20, %mul3A_2] : memref<26x16384xi32, #tpu.memory_space<hbm>> -> memref<1x512xi32, #tpu.memory_space<hbm>>
    %dma_start3A_24 = tpu.memref_squeeze %dma_start3A_23 : memref<1x512xi32, #tpu.memory_space<hbm>> -> memref<512xi32, #tpu.memory_space<hbm>>
    %dma_start3A_25 = arith.constant 1024 : i32
    %dma_start3A_26 = tpu.memref_slice %arg6[%dma_start3A_25] : memref<13312xi32, #tpu.memory_space<vmem>> -> memref<512xi32, #tpu.memory_space<vmem>>
    %dma_start3A_27 = tpu.memref_slice %arg2[%dma_start3A_20, %mul3A_2] : memref<26x16384xi32, #tpu.memory_space<hbm>> -> memref<1x512xi32, #tpu.memory_space<hbm>>
    %dma_start3A_28 = tpu.memref_squeeze %dma_start3A_27 : memref<1x512xi32, #tpu.memory_space<hbm>> -> memref<512xi32, #tpu.memory_space<hbm>>
    tpu.enqueue_dma source(%dma_start3A_28 : memref<512xi32, #tpu.memory_space<hbm>>) target(%dma_start3A_26 : memref<512xi32, #tpu.memory_space<vmem>>) target_semaphore(%arg10 : memref<!tpu.dma_semaphore, #tpu.memory_space<semaphore_mem>>)
    %dma_start3A_29 = arith.constant 3 : i32
    %dma_start3A_30 = arith.constant 1536 : i32
    %dma_start3A_31 = tpu.memref_slice %arg6[%dma_start3A_30] : memref<13312xi32, #tpu.memory_space<vmem>> -> memref<512xi32, #tpu.memory_space<vmem>>
    %dma_start3A_32 = tpu.memref_slice %arg2[%dma_start3A_29, %mul3A_2] : memref<26x16384xi32, #tpu.memory_space<hbm>> -> memref<1x512xi32, #tpu.memory_space<hbm>>
    %dma_start3A_33 = tpu.memref_squeeze %dma_start3A_32 : memref<1x512xi32, #tpu.memory_space<hbm>> -> memref<512xi32, #tpu.memory_space<hbm>>
    %dma_start3A_34 = arith.constant 1536 : i32
    %dma_start3A_35 = tpu.memref_slice %arg6[%dma_start3A_34] : memref<13312xi32, #tpu.memory_space<vmem>> -> memref<512xi32, #tpu.memory_space<vmem>>
    %dma_start3A_36 = tpu.memref_slice %arg2[%dma_start3A_29, %mul3A_2] : memref<26x16384xi32, #tpu.memory_space<hbm>> -> memref<1x512xi32, #tpu.memory_space<hbm>>
    %dma_start3A_37 = tpu.memref_squeeze %dma_start3A_36 : memref<1x512xi32, #tpu.memory_space<hbm>> -> memref<512xi32, #tpu.memory_space<hbm>>
    tpu.enqueue_dma source(%dma_start3A_37 : memref<512xi32, #tpu.memory_space<hbm>>) target(%dma_start3A_35 : memref<512xi32, #tpu.memory_space<vmem>>) target_semaphore(%arg10 : memref<!tpu.dma_semaphore, #tpu.memory_space<semaphore_mem>>)
    %dma_start3A_38 = arith.constant 4 : i32
    %dma_start3A_39 = arith.constant 2048 : i32
    %dma_start3A_40 = tpu.memref_slice %arg6[%dma_start3A_39] : memref<13312xi32, #tpu.memory_space<vmem>> -> memref<512xi32, #tpu.memory_space<vmem>>
    %dma_start3A_41 = tpu.memref_slice %arg2[%dma_start3A_38, %mul3A_2] : memref<26x16384xi32, #tpu.memory_space<hbm>> -> memref<1x512xi32, #tpu.memory_space<hbm>>
    %dma_start3A_42 = tpu.memref_squeeze %dma_start3A_41 : memref<1x512xi32, #tpu.memory_space<hbm>> -> memref<512xi32, #tpu.memory_space<hbm>>
    %dma_start3A_43 = arith.constant 2048 : i32
    %dma_start3A_44 = tpu.memref_slice %arg6[%dma_start3A_43] : memref<13312xi32, #tpu.memory_space<vmem>> -> memref<512xi32, #tpu.memory_space<vmem>>
    %dma_start3A_45 = tpu.memref_slice %arg2[%dma_start3A_38, %mul3A_2] : memref<26x16384xi32, #tpu.memory_space<hbm>> -> memref<1x512xi32, #tpu.memory_space<hbm>>
    %dma_start3A_46 = tpu.memref_squeeze %dma_start3A_45 : memref<1x512xi32, #tpu.memory_space<hbm>> -> memref<512xi32, #tpu.memory_space<hbm>>
    tpu.enqueue_dma source(%dma_start3A_46 : memref<512xi32, #tpu.memory_space<hbm>>) target(%dma_start3A_44 : memref<512xi32, #tpu.memory_space<vmem>>) target_semaphore(%arg11 : memref<!tpu.dma_semaphore, #tpu.memory_space<semaphore_mem>>)
    %dma_start3A_47 = arith.constant 5 : i32
    %dma_start3A_48 = arith.constant 2560 : i32
    %dma_start3A_49 = tpu.memref_slice %arg6[%dma_start3A_48] : memref<13312xi32, #tpu.memory_space<vmem>> -> memref<512xi32, #tpu.memory_space<vmem>>
    %dma_start3A_50 = tpu.memref_slice %arg2[%dma_start3A_47, %mul3A_2] : memref<26x16384xi32, #tpu.memory_space<hbm>> -> memref<1x512xi32, #tpu.memory_space<hbm>>
    %dma_start3A_51 = tpu.memref_squeeze %dma_start3A_50 : memref<1x512xi32, #tpu.memory_space<hbm>> -> memref<512xi32, #tpu.memory_space<hbm>>
    %dma_start3A_52 = arith.constant 2560 : i32
    %dma_start3A_53 = tpu.memref_slice %arg6[%dma_start3A_52] : memref<13312xi32, #tpu.memory_space<vmem>> -> memref<512xi32, #tpu.memory_space<vmem>>
    %dma_start3A_54 = tpu.memref_slice %arg2[%dma_start3A_47, %mul3A_2] : memref<26x16384xi32, #tpu.memory_space<hbm>> -> memref<1x512xi32, #tpu.memory_space<hbm>>
    %dma_start3A_55 = tpu.memref_squeeze %dma_start3A_54 : memref<1x512xi32, #tpu.memory_space<hbm>> -> memref<512xi32, #tpu.memory_space<hbm>>
    tpu.enqueue_dma source(%dma_start3A_55 : memref<512xi32, #tpu.memory_space<hbm>>) target(%dma_start3A_53 : memref<512xi32, #tpu.memory_space<vmem>>) target_semaphore(%arg11 : memref<!tpu.dma_semaphore, #tpu.memory_space<semaphore_mem>>)
    %dma_start3A_56 = arith.constant 6 : i32
    %dma_start3A_57 = arith.constant 3072 : i32
    %dma_start3A_58 = tpu.memref_slice %arg6[%dma_start3A_57] : memref<13312xi32, #tpu.memory_space<vmem>> -> memref<512xi32, #tpu.memory_space<vmem>>
    %dma_start3A_59 = tpu.memref_slice %arg2[%dma_start3A_56, %mul3A_2] : memref<26x16384xi32, #tpu.memory_space<hbm>> -> memref<1x512xi32, #tpu.memory_space<hbm>>
    %dma_start3A_60 = tpu.memref_squeeze %dma_start3A_59 : memref<1x512xi32, #tpu.memory_space<hbm>> -> memref<512xi32, #tpu.memory_space<hbm>>
    %dma_start3A_61 = arith.constant 3072 : i32
    %dma_start3A_62 = tpu.memref_slice %arg6[%dma_start3A_61] : memref<13312xi32, #tpu.memory_space<vmem>> -> memref<512xi32, #tpu.memory_space<vmem>>
    %dma_start3A_63 = tpu.memref_slice %arg2[%dma_start3A_56, %mul3A_2] : memref<26x16384xi32, #tpu.memory_space<hbm>> -> memref<1x512xi32, #tpu.memory_space<hbm>>
    %dma_start3A_64 = tpu.memref_squeeze %dma_start3A_63 : memref<1x512xi32, #tpu.memory_space<hbm>> -> memref<512xi32, #tpu.memory_space<hbm>>
    tpu.enqueue_dma source(%dma_start3A_64 : memref<512xi32, #tpu.memory_space<hbm>>) target(%dma_start3A_62 : memref<512xi32, #tpu.memory_space<vmem>>) target_semaphore(%arg11 : memref<!tpu.dma_semaphore, #tpu.memory_space<semaphore_mem>>)
    %dma_start3A_65 = arith.constant 7 : i32
    %dma_start3A_66 = arith.constant 3584 : i32
    %dma_start3A_67 = tpu.memref_slice %arg6[%dma_start3A_66] : memref<13312xi32, #tpu.memory_space<vmem>> -> memref<512xi32, #tpu.memory_space<vmem>>
    %dma_start3A_68 = tpu.memref_slice %arg2[%dma_start3A_65, %mul3A_2] : memref<26x16384xi32, #tpu.memory_space<hbm>> -> memref<1x512xi32, #tpu.memory_space<hbm>>
    %dma_start3A_69 = tpu.memref_squeeze %dma_start3A_68 : memref<1x512xi32, #tpu.memory_space<hbm>> -> memref<512xi32, #tpu.memory_space<hbm>>
    %dma_start3A_70 = arith.constant 3584 : i32
    %dma_start3A_71 = tpu.memref_slice %arg6[%dma_start3A_70] : memref<13312xi32, #tpu.memory_space<vmem>> -> memref<512xi32, #tpu.memory_space<vmem>>
    %dma_start3A_72 = tpu.memref_slice %arg2[%dma_start3A_65, %mul3A_2] : memref<26x16384xi32, #tpu.memory_space<hbm>> -> memref<1x512xi32, #tpu.memory_space<hbm>>
    %dma_start3A_73 = tpu.memref_squeeze %dma_start3A_72 : memref<1x512xi32, #tpu.memory_space<hbm>> -> memref<512xi32, #tpu.memory_space<hbm>>
    tpu.enqueue_dma source(%dma_start3A_73 : memref<512xi32, #tpu.memory_space<hbm>>) target(%dma_start3A_71 : memref<512xi32, #tpu.memory_space<vmem>>) target_semaphore(%arg11 : memref<!tpu.dma_semaphore, #tpu.memory_space<semaphore_mem>>)
    %dma_start3A_74 = arith.constant 8 : i32
    %dma_start3A_75 = arith.constant 4096 : i32
    %dma_start3A_76 = tpu.memref_slice %arg6[%dma_start3A_75] : memref<13312xi32, #tpu.memory_space<vmem>> -> memref<512xi32, #tpu.memory_space<vmem>>
    %dma_start3A_77 = tpu.memref_slice %arg2[%dma_start3A_74, %mul3A_2] : memref<26x16384xi32, #tpu.memory_space<hbm>> -> memref<1x512xi32, #tpu.memory_space<hbm>>
    %dma_start3A_78 = tpu.memref_squeeze %dma_start3A_77 : memref<1x512xi32, #tpu.memory_space<hbm>> -> memref<512xi32, #tpu.memory_space<hbm>>
    %dma_start3A_79 = arith.constant 4096 : i32
    %dma_start3A_80 = tpu.memref_slice %arg6[%dma_start3A_79] : memref<13312xi32, #tpu.memory_space<vmem>> -> memref<512xi32, #tpu.memory_space<vmem>>
    %dma_start3A_81 = tpu.memref_slice %arg2[%dma_start3A_74, %mul3A_2] : memref<26x16384xi32, #tpu.memory_space<hbm>> -> memref<1x512xi32, #tpu.memory_space<hbm>>
    %dma_start3A_82 = tpu.memref_squeeze %dma_start3A_81 : memref<1x512xi32, #tpu.memory_space<hbm>> -> memref<512xi32, #tpu.memory_space<hbm>>
    tpu.enqueue_dma source(%dma_start3A_82 : memref<512xi32, #tpu.memory_space<hbm>>) target(%dma_start3A_80 : memref<512xi32, #tpu.memory_space<vmem>>) target_semaphore(%arg12 : memref<!tpu.dma_semaphore, #tpu.memory_space<semaphore_mem>>)
    %dma_start3A_83 = arith.constant 9 : i32
    %dma_start3A_84 = arith.constant 4608 : i32
    %dma_start3A_85 = tpu.memref_slice %arg6[%dma_start3A_84] : memref<13312xi32, #tpu.memory_space<vmem>> -> memref<512xi32, #tpu.memory_space<vmem>>
    %dma_start3A_86 = tpu.memref_slice %arg2[%dma_start3A_83, %mul3A_2] : memref<26x16384xi32, #tpu.memory_space<hbm>> -> memref<1x512xi32, #tpu.memory_space<hbm>>
    %dma_start3A_87 = tpu.memref_squeeze %dma_start3A_86 : memref<1x512xi32, #tpu.memory_space<hbm>> -> memref<512xi32, #tpu.memory_space<hbm>>
    %dma_start3A_88 = arith.constant 4608 : i32
    %dma_start3A_89 = tpu.memref_slice %arg6[%dma_start3A_88] : memref<13312xi32, #tpu.memory_space<vmem>> -> memref<512xi32, #tpu.memory_space<vmem>>
    %dma_start3A_90 = tpu.memref_slice %arg2[%dma_start3A_83, %mul3A_2] : memref<26x16384xi32, #tpu.memory_space<hbm>> -> memref<1x512xi32, #tpu.memory_space<hbm>>
    %dma_start3A_91 = tpu.memref_squeeze %dma_start3A_90 : memref<1x512xi32, #tpu.memory_space<hbm>> -> memref<512xi32, #tpu.memory_space<hbm>>
    tpu.enqueue_dma source(%dma_start3A_91 : memref<512xi32, #tpu.memory_space<hbm>>) target(%dma_start3A_89 : memref<512xi32, #tpu.memory_space<vmem>>) target_semaphore(%arg12 : memref<!tpu.dma_semaphore, #tpu.memory_space<semaphore_mem>>)
    %dma_start3A_92 = arith.constant 10 : i32
    %dma_start3A_93 = arith.constant 5120 : i32
    %dma_start3A_94 = tpu.memref_slice %arg6[%dma_start3A_93] : memref<13312xi32, #tpu.memory_space<vmem>> -> memref<512xi32, #tpu.memory_space<vmem>>
    %dma_start3A_95 = tpu.memref_slice %arg2[%dma_start3A_92, %mul3A_2] : memref<26x16384xi32, #tpu.memory_space<hbm>> -> memref<1x512xi32, #tpu.memory_space<hbm>>
    %dma_start3A_96 = tpu.memref_squeeze %dma_start3A_95 : memref<1x512xi32, #tpu.memory_space<hbm>> -> memref<512xi32, #tpu.memory_space<hbm>>
    %dma_start3A_97 = arith.constant 5120 : i32
    %dma_start3A_98 = tpu.memref_slice %arg6[%dma_start3A_97] : memref<13312xi32, #tpu.memory_space<vmem>> -> memref<512xi32, #tpu.memory_space<vmem>>
    %dma_start3A_99 = tpu.memref_slice %arg2[%dma_start3A_92, %mul3A_2] : memref<26x16384xi32, #tpu.memory_space<hbm>> -> memref<1x512xi32, #tpu.memory_space<hbm>>
    %dma_start3A_100 = tpu.memref_squeeze %dma_start3A_99 : memref<1x512xi32, #tpu.memory_space<hbm>> -> memref<512xi32, #tpu.memory_space<hbm>>
    tpu.enqueue_dma source(%dma_start3A_100 : memref<512xi32, #tpu.memory_space<hbm>>) target(%dma_start3A_98 : memref<512xi32, #tpu.memory_space<vmem>>) target_semaphore(%arg12 : memref<!tpu.dma_semaphore, #tpu.memory_space<semaphore_mem>>)
    %dma_start3A_101 = arith.constant 11 : i32
    %dma_start3A_102 = arith.constant 5632 : i32
    %dma_start3A_103 = tpu.memref_slice %arg6[%dma_start3A_102] : memref<13312xi32, #tpu.memory_space<vmem>> -> memref<512xi32, #tpu.memory_space<vmem>>
    %dma_start3A_104 = tpu.memref_slice %arg2[%dma_start3A_101, %mul3A_2] : memref<26x16384xi32, #tpu.memory_space<hbm>> -> memref<1x512xi32, #tpu.memory_space<hbm>>
    %dma_start3A_105 = tpu.memref_squeeze %dma_start3A_104 : memref<1x512xi32, #tpu.memory_space<hbm>> -> memref<512xi32, #tpu.memory_space<hbm>>
    %dma_start3A_106 = arith.constant 5632 : i32
    %dma_start3A_107 = tpu.memref_slice %arg6[%dma_start3A_106] : memref<13312xi32, #tpu.memory_space<vmem>> -> memref<512xi32, #tpu.memory_space<vmem>>
    %dma_start3A_108 = tpu.memref_slice %arg2[%dma_start3A_101, %mul3A_2] : memref<26x16384xi32, #tpu.memory_space<hbm>> -> memref<1x512xi32, #tpu.memory_space<hbm>>
    %dma_start3A_109 = tpu.memref_squeeze %dma_start3A_108 : memref<1x512xi32, #tpu.memory_space<hbm>> -> memref<512xi32, #tpu.memory_space<hbm>>
    tpu.enqueue_dma source(%dma_start3A_109 : memref<512xi32, #tpu.memory_space<hbm>>) target(%dma_start3A_107 : memref<512xi32, #tpu.memory_space<vmem>>) target_semaphore(%arg13 : memref<!tpu.dma_semaphore, #tpu.memory_space<semaphore_mem>>)
    %dma_start3A_110 = arith.constant 12 : i32
    %dma_start3A_111 = arith.constant 6144 : i32
    %dma_start3A_112 = tpu.memref_slice %arg6[%dma_start3A_111] : memref<13312xi32, #tpu.memory_space<vmem>> -> memref<512xi32, #tpu.memory_space<vmem>>
    %dma_start3A_113 = tpu.memref_slice %arg2[%dma_start3A_110, %mul3A_2] : memref<26x16384xi32, #tpu.memory_space<hbm>> -> memref<1x512xi32, #tpu.memory_space<hbm>>
    %dma_start3A_114 = tpu.memref_squeeze %dma_start3A_113 : memref<1x512xi32, #tpu.memory_space<hbm>> -> memref<512xi32, #tpu.memory_space<hbm>>
    %dma_start3A_115 = arith.constant 6144 : i32
    %dma_start3A_116 = tpu.memref_slice %arg6[%dma_start3A_115] : memref<13312xi32, #tpu.memory_space<vmem>> -> memref<512xi32, #tpu.memory_space<vmem>>
    %dma_start3A_117 = tpu.memref_slice %arg2[%dma_start3A_110, %mul3A_2] : memref<26x16384xi32, #tpu.memory_space<hbm>> -> memref<1x512xi32, #tpu.memory_space<hbm>>
    %dma_start3A_118 = tpu.memref_squeeze %dma_start3A_117 : memref<1x512xi32, #tpu.memory_space<hbm>> -> memref<512xi32, #tpu.memory_space<hbm>>
    tpu.enqueue_dma source(%dma_start3A_118 : memref<512xi32, #tpu.memory_space<hbm>>) target(%dma_start3A_116 : memref<512xi32, #tpu.memory_space<vmem>>) target_semaphore(%arg13 : memref<!tpu.dma_semaphore, #tpu.memory_space<semaphore_mem>>)
    %dma_start3A_119 = arith.constant 13 : i32
    %dma_start3A_120 = arith.constant 6656 : i32
    %dma_start3A_121 = tpu.memref_slice %arg6[%dma_start3A_120] : memref<13312xi32, #tpu.memory_space<vmem>> -> memref<512xi32, #tpu.memory_space<vmem>>
    %dma_start3A_122 = tpu.memref_slice %arg2[%dma_start3A_119, %mul3A_2] : memref<26x16384xi32, #tpu.memory_space<hbm>> -> memref<1x512xi32, #tpu.memory_space<hbm>>
    %dma_start3A_123 = tpu.memref_squeeze %dma_start3A_122 : memref<1x512xi32, #tpu.memory_space<hbm>> -> memref<512xi32, #tpu.memory_space<hbm>>
    %dma_start3A_124 = arith.constant 6656 : i32
    %dma_start3A_125 = tpu.memref_slice %arg6[%dma_start3A_124] : memref<13312xi32, #tpu.memory_space<vmem>> -> memref<512xi32, #tpu.memory_space<vmem>>
    %dma_start3A_126 = tpu.memref_slice %arg2[%dma_start3A_119, %mul3A_2] : memref<26x16384xi32, #tpu.memory_space<hbm>> -> memref<1x512xi32, #tpu.memory_space<hbm>>
    %dma_start3A_127 = tpu.memref_squeeze %dma_start3A_126 : memref<1x512xi32, #tpu.memory_space<hbm>> -> memref<512xi32, #tpu.memory_space<hbm>>
    tpu.enqueue_dma source(%dma_start3A_127 : memref<512xi32, #tpu.memory_space<hbm>>) target(%dma_start3A_125 : memref<512xi32, #tpu.memory_space<vmem>>) target_semaphore(%arg13 : memref<!tpu.dma_semaphore, #tpu.memory_space<semaphore_mem>>)
    %dma_start3A_128 = arith.constant 14 : i32
    %dma_start3A_129 = arith.constant 7168 : i32
    %dma_start3A_130 = tpu.memref_slice %arg6[%dma_start3A_129] : memref<13312xi32, #tpu.memory_space<vmem>> -> memref<512xi32, #tpu.memory_space<vmem>>
    %dma_start3A_131 = tpu.memref_slice %arg2[%dma_start3A_128, %mul3A_2] : memref<26x16384xi32, #tpu.memory_space<hbm>> -> memref<1x512xi32, #tpu.memory_space<hbm>>
    %dma_start3A_132 = tpu.memref_squeeze %dma_start3A_131 : memref<1x512xi32, #tpu.memory_space<hbm>> -> memref<512xi32, #tpu.memory_space<hbm>>
    %dma_start3A_133 = arith.constant 7168 : i32
    %dma_start3A_134 = tpu.memref_slice %arg6[%dma_start3A_133] : memref<13312xi32, #tpu.memory_space<vmem>> -> memref<512xi32, #tpu.memory_space<vmem>>
    %dma_start3A_135 = tpu.memref_slice %arg2[%dma_start3A_128, %mul3A_2] : memref<26x16384xi32, #tpu.memory_space<hbm>> -> memref<1x512xi32, #tpu.memory_space<hbm>>
    %dma_start3A_136 = tpu.memref_squeeze %dma_start3A_135 : memref<1x512xi32, #tpu.memory_space<hbm>> -> memref<512xi32, #tpu.memory_space<hbm>>
    tpu.enqueue_dma source(%dma_start3A_136 : memref<512xi32, #tpu.memory_space<hbm>>) target(%dma_start3A_134 : memref<512xi32, #tpu.memory_space<vmem>>) target_semaphore(%arg14 : memref<!tpu.dma_semaphore, #tpu.memory_space<semaphore_mem>>)
    %dma_start3A_137 = arith.constant 15 : i32
    %dma_start3A_138 = arith.constant 7680 : i32
    %dma_start3A_139 = tpu.memref_slice %arg6[%dma_start3A_138] : memref<13312xi32, #tpu.memory_space<vmem>> -> memref<512xi32, #tpu.memory_space<vmem>>
    %dma_start3A_140 = tpu.memref_slice %arg2[%dma_start3A_137, %mul3A_2] : memref<26x16384xi32, #tpu.memory_space<hbm>> -> memref<1x512xi32, #tpu.memory_space<hbm>>
    %dma_start3A_141 = tpu.memref_squeeze %dma_start3A_140 : memref<1x512xi32, #tpu.memory_space<hbm>> -> memref<512xi32, #tpu.memory_space<hbm>>
    %dma_start3A_142 = arith.constant 7680 : i32
    %dma_start3A_143 = tpu.memref_slice %arg6[%dma_start3A_142] : memref<13312xi32, #tpu.memory_space<vmem>> -> memref<512xi32, #tpu.memory_space<vmem>>
    %dma_start3A_144 = tpu.memref_slice %arg2[%dma_start3A_137, %mul3A_2] : memref<26x16384xi32, #tpu.memory_space<hbm>> -> memref<1x512xi32, #tpu.memory_space<hbm>>
    %dma_start3A_145 = tpu.memref_squeeze %dma_start3A_144 : memref<1x512xi32, #tpu.memory_space<hbm>> -> memref<512xi32, #tpu.memory_space<hbm>>
    tpu.enqueue_dma source(%dma_start3A_145 : memref<512xi32, #tpu.memory_space<hbm>>) target(%dma_start3A_143 : memref<512xi32, #tpu.memory_space<vmem>>) target_semaphore(%arg14 : memref<!tpu.dma_semaphore, #tpu.memory_space<semaphore_mem>>)
    %dma_start3A_146 = arith.constant 16 : i32
    %dma_start3A_147 = arith.constant 8192 : i32
    %dma_start3A_148 = tpu.memref_slice %arg6[%dma_start3A_147] : memref<13312xi32, #tpu.memory_space<vmem>> -> memref<512xi32, #tpu.memory_space<vmem>>
    %dma_start3A_149 = tpu.memref_slice %arg2[%dma_start3A_146, %mul3A_2] : memref<26x16384xi32, #tpu.memory_space<hbm>> -> memref<1x512xi32, #tpu.memory_space<hbm>>
    %dma_start3A_150 = tpu.memref_squeeze %dma_start3A_149 : memref<1x512xi32, #tpu.memory_space<hbm>> -> memref<512xi32, #tpu.memory_space<hbm>>
    %dma_start3A_151 = arith.constant 8192 : i32
    %dma_start3A_152 = tpu.memref_slice %arg6[%dma_start3A_151] : memref<13312xi32, #tpu.memory_space<vmem>> -> memref<512xi32, #tpu.memory_space<vmem>>
    %dma_start3A_153 = tpu.memref_slice %arg2[%dma_start3A_146, %mul3A_2] : memref<26x16384xi32, #tpu.memory_space<hbm>> -> memref<1x512xi32, #tpu.memory_space<hbm>>
    %dma_start3A_154 = tpu.memref_squeeze %dma_start3A_153 : memref<1x512xi32, #tpu.memory_space<hbm>> -> memref<512xi32, #tpu.memory_space<hbm>>
    tpu.enqueue_dma source(%dma_start3A_154 : memref<512xi32, #tpu.memory_space<hbm>>) target(%dma_start3A_152 : memref<512xi32, #tpu.memory_space<vmem>>) target_semaphore(%arg14 : memref<!tpu.dma_semaphore, #tpu.memory_space<semaphore_mem>>)
    %dma_start3A_155 = arith.constant 17 : i32
    %dma_start3A_156 = arith.constant 8704 : i32
    %dma_start3A_157 = tpu.memref_slice %arg6[%dma_start3A_156] : memref<13312xi32, #tpu.memory_space<vmem>> -> memref<512xi32, #tpu.memory_space<vmem>>
    %dma_start3A_158 = tpu.memref_slice %arg2[%dma_start3A_155, %mul3A_2] : memref<26x16384xi32, #tpu.memory_space<hbm>> -> memref<1x512xi32, #tpu.memory_space<hbm>>
    %dma_start3A_159 = tpu.memref_squeeze %dma_start3A_158 : memref<1x512xi32, #tpu.memory_space<hbm>> -> memref<512xi32, #tpu.memory_space<hbm>>
    %dma_start3A_160 = arith.constant 8704 : i32
    %dma_start3A_161 = tpu.memref_slice %arg6[%dma_start3A_160] : memref<13312xi32, #tpu.memory_space<vmem>> -> memref<512xi32, #tpu.memory_space<vmem>>
    %dma_start3A_162 = tpu.memref_slice %arg2[%dma_start3A_155, %mul3A_2] : memref<26x16384xi32, #tpu.memory_space<hbm>> -> memref<1x512xi32, #tpu.memory_space<hbm>>
    %dma_start3A_163 = tpu.memref_squeeze %dma_start3A_162 : memref<1x512xi32, #tpu.memory_space<hbm>> -> memref<512xi32, #tpu.memory_space<hbm>>
    tpu.enqueue_dma source(%dma_start3A_163 : memref<512xi32, #tpu.memory_space<hbm>>) target(%dma_start3A_161 : memref<512xi32, #tpu.memory_space<vmem>>) target_semaphore(%arg15 : memref<!tpu.dma_semaphore, #tpu.memory_space<semaphore_mem>>)
    %dma_start3A_164 = arith.constant 18 : i32
    %dma_start3A_165 = arith.constant 9216 : i32
    %dma_start3A_166 = tpu.memref_slice %arg6[%dma_start3A_165] : memref<13312xi32, #tpu.memory_space<vmem>> -> memref<512xi32, #tpu.memory_space<vmem>>
    %dma_start3A_167 = tpu.memref_slice %arg2[%dma_start3A_164, %mul3A_2] : memref<26x16384xi32, #tpu.memory_space<hbm>> -> memref<1x512xi32, #tpu.memory_space<hbm>>
    %dma_start3A_168 = tpu.memref_squeeze %dma_start3A_167 : memref<1x512xi32, #tpu.memory_space<hbm>> -> memref<512xi32, #tpu.memory_space<hbm>>
    %dma_start3A_169 = arith.constant 9216 : i32
    %dma_start3A_170 = tpu.memref_slice %arg6[%dma_start3A_169] : memref<13312xi32, #tpu.memory_space<vmem>> -> memref<512xi32, #tpu.memory_space<vmem>>
    %dma_start3A_171 = tpu.memref_slice %arg2[%dma_start3A_164, %mul3A_2] : memref<26x16384xi32, #tpu.memory_space<hbm>> -> memref<1x512xi32, #tpu.memory_space<hbm>>
    %dma_start3A_172 = tpu.memref_squeeze %dma_start3A_171 : memref<1x512xi32, #tpu.memory_space<hbm>> -> memref<512xi32, #tpu.memory_space<hbm>>
    tpu.enqueue_dma source(%dma_start3A_172 : memref<512xi32, #tpu.memory_space<hbm>>) target(%dma_start3A_170 : memref<512xi32, #tpu.memory_space<vmem>>) target_semaphore(%arg15 : memref<!tpu.dma_semaphore, #tpu.memory_space<semaphore_mem>>)
    %dma_start3A_173 = arith.constant 19 : i32
    %dma_start3A_174 = arith.constant 9728 : i32
    %dma_start3A_175 = tpu.memref_slice %arg6[%dma_start3A_174] : memref<13312xi32, #tpu.memory_space<vmem>> -> memref<512xi32, #tpu.memory_space<vmem>>
    %dma_start3A_176 = tpu.memref_slice %arg2[%dma_start3A_173, %mul3A_2] : memref<26x16384xi32, #tpu.memory_space<hbm>> -> memref<1x512xi32, #tpu.memory_space<hbm>>
    %dma_start3A_177 = tpu.memref_squeeze %dma_start3A_176 : memref<1x512xi32, #tpu.memory_space<hbm>> -> memref<512xi32, #tpu.memory_space<hbm>>
    %dma_start3A_178 = arith.constant 9728 : i32
    %dma_start3A_179 = tpu.memref_slice %arg6[%dma_start3A_178] : memref<13312xi32, #tpu.memory_space<vmem>> -> memref<512xi32, #tpu.memory_space<vmem>>
    %dma_start3A_180 = tpu.memref_slice %arg2[%dma_start3A_173, %mul3A_2] : memref<26x16384xi32, #tpu.memory_space<hbm>> -> memref<1x512xi32, #tpu.memory_space<hbm>>
    %dma_start3A_181 = tpu.memref_squeeze %dma_start3A_180 : memref<1x512xi32, #tpu.memory_space<hbm>> -> memref<512xi32, #tpu.memory_space<hbm>>
    tpu.enqueue_dma source(%dma_start3A_181 : memref<512xi32, #tpu.memory_space<hbm>>) target(%dma_start3A_179 : memref<512xi32, #tpu.memory_space<vmem>>) target_semaphore(%arg15 : memref<!tpu.dma_semaphore, #tpu.memory_space<semaphore_mem>>)
    %dma_start3A_182 = arith.constant 20 : i32
    %dma_start3A_183 = arith.constant 10240 : i32
    %dma_start3A_184 = tpu.memref_slice %arg6[%dma_start3A_183] : memref<13312xi32, #tpu.memory_space<vmem>> -> memref<512xi32, #tpu.memory_space<vmem>>
    %dma_start3A_185 = tpu.memref_slice %arg2[%dma_start3A_182, %mul3A_2] : memref<26x16384xi32, #tpu.memory_space<hbm>> -> memref<1x512xi32, #tpu.memory_space<hbm>>
    %dma_start3A_186 = tpu.memref_squeeze %dma_start3A_185 : memref<1x512xi32, #tpu.memory_space<hbm>> -> memref<512xi32, #tpu.memory_space<hbm>>
    %dma_start3A_187 = arith.constant 10240 : i32
    %dma_start3A_188 = tpu.memref_slice %arg6[%dma_start3A_187] : memref<13312xi32, #tpu.memory_space<vmem>> -> memref<512xi32, #tpu.memory_space<vmem>>
    %dma_start3A_189 = tpu.memref_slice %arg2[%dma_start3A_182, %mul3A_2] : memref<26x16384xi32, #tpu.memory_space<hbm>> -> memref<1x512xi32, #tpu.memory_space<hbm>>
    %dma_start3A_190 = tpu.memref_squeeze %dma_start3A_189 : memref<1x512xi32, #tpu.memory_space<hbm>> -> memref<512xi32, #tpu.memory_space<hbm>>
    tpu.enqueue_dma source(%dma_start3A_190 : memref<512xi32, #tpu.memory_space<hbm>>) target(%dma_start3A_188 : memref<512xi32, #tpu.memory_space<vmem>>) target_semaphore(%arg16 : memref<!tpu.dma_semaphore, #tpu.memory_space<semaphore_mem>>)
    %dma_start3A_191 = arith.constant 21 : i32
    %dma_start3A_192 = arith.constant 10752 : i32
    %dma_start3A_193 = tpu.memref_slice %arg6[%dma_start3A_192] : memref<13312xi32, #tpu.memory_space<vmem>> -> memref<512xi32, #tpu.memory_space<vmem>>
    %dma_start3A_194 = tpu.memref_slice %arg2[%dma_start3A_191, %mul3A_2] : memref<26x16384xi32, #tpu.memory_space<hbm>> -> memref<1x512xi32, #tpu.memory_space<hbm>>
    %dma_start3A_195 = tpu.memref_squeeze %dma_start3A_194 : memref<1x512xi32, #tpu.memory_space<hbm>> -> memref<512xi32, #tpu.memory_space<hbm>>
    %dma_start3A_196 = arith.constant 10752 : i32
    %dma_start3A_197 = tpu.memref_slice %arg6[%dma_start3A_196] : memref<13312xi32, #tpu.memory_space<vmem>> -> memref<512xi32, #tpu.memory_space<vmem>>
    %dma_start3A_198 = tpu.memref_slice %arg2[%dma_start3A_191, %mul3A_2] : memref<26x16384xi32, #tpu.memory_space<hbm>> -> memref<1x512xi32, #tpu.memory_space<hbm>>
    %dma_start3A_199 = tpu.memref_squeeze %dma_start3A_198 : memref<1x512xi32, #tpu.memory_space<hbm>> -> memref<512xi32, #tpu.memory_space<hbm>>
    tpu.enqueue_dma source(%dma_start3A_199 : memref<512xi32, #tpu.memory_space<hbm>>) target(%dma_start3A_197 : memref<512xi32, #tpu.memory_space<vmem>>) target_semaphore(%arg16 : memref<!tpu.dma_semaphore, #tpu.memory_space<semaphore_mem>>)
    %dma_start3A_200 = arith.constant 22 : i32
    %dma_start3A_201 = arith.constant 11264 : i32
    %dma_start3A_202 = tpu.memref_slice %arg6[%dma_start3A_201] : memref<13312xi32, #tpu.memory_space<vmem>> -> memref<512xi32, #tpu.memory_space<vmem>>
    %dma_start3A_203 = tpu.memref_slice %arg2[%dma_start3A_200, %mul3A_2] : memref<26x16384xi32, #tpu.memory_space<hbm>> -> memref<1x512xi32, #tpu.memory_space<hbm>>
    %dma_start3A_204 = tpu.memref_squeeze %dma_start3A_203 : memref<1x512xi32, #tpu.memory_space<hbm>> -> memref<512xi32, #tpu.memory_space<hbm>>
    %dma_start3A_205 = arith.constant 11264 : i32
    %dma_start3A_206 = tpu.memref_slice %arg6[%dma_start3A_205] : memref<13312xi32, #tpu.memory_space<vmem>> -> memref<512xi32, #tpu.memory_space<vmem>>
    %dma_start3A_207 = tpu.memref_slice %arg2[%dma_start3A_200, %mul3A_2] : memref<26x16384xi32, #tpu.memory_space<hbm>> -> memref<1x512xi32, #tpu.memory_space<hbm>>
    %dma_start3A_208 = tpu.memref_squeeze %dma_start3A_207 : memref<1x512xi32, #tpu.memory_space<hbm>> -> memref<512xi32, #tpu.memory_space<hbm>>
    tpu.enqueue_dma source(%dma_start3A_208 : memref<512xi32, #tpu.memory_space<hbm>>) target(%dma_start3A_206 : memref<512xi32, #tpu.memory_space<vmem>>) target_semaphore(%arg16 : memref<!tpu.dma_semaphore, #tpu.memory_space<semaphore_mem>>)
    %dma_start3A_209 = arith.constant 23 : i32
    %dma_start3A_210 = arith.constant 11776 : i32
    %dma_start3A_211 = tpu.memref_slice %arg6[%dma_start3A_210] : memref<13312xi32, #tpu.memory_space<vmem>> -> memref<512xi32, #tpu.memory_space<vmem>>
    %dma_start3A_212 = tpu.memref_slice %arg2[%dma_start3A_209, %mul3A_2] : memref<26x16384xi32, #tpu.memory_space<hbm>> -> memref<1x512xi32, #tpu.memory_space<hbm>>
    %dma_start3A_213 = tpu.memref_squeeze %dma_start3A_212 : memref<1x512xi32, #tpu.memory_space<hbm>> -> memref<512xi32, #tpu.memory_space<hbm>>
    %dma_start3A_214 = arith.constant 11776 : i32
    %dma_start3A_215 = tpu.memref_slice %arg6[%dma_start3A_214] : memref<13312xi32, #tpu.memory_space<vmem>> -> memref<512xi32, #tpu.memory_space<vmem>>
    %dma_start3A_216 = tpu.memref_slice %arg2[%dma_start3A_209, %mul3A_2] : memref<26x16384xi32, #tpu.memory_space<hbm>> -> memref<1x512xi32, #tpu.memory_space<hbm>>
    %dma_start3A_217 = tpu.memref_squeeze %dma_start3A_216 : memref<1x512xi32, #tpu.memory_space<hbm>> -> memref<512xi32, #tpu.memory_space<hbm>>
    tpu.enqueue_dma source(%dma_start3A_217 : memref<512xi32, #tpu.memory_space<hbm>>) target(%dma_start3A_215 : memref<512xi32, #tpu.memory_space<vmem>>) target_semaphore(%arg17 : memref<!tpu.dma_semaphore, #tpu.memory_space<semaphore_mem>>)
    %dma_start3A_218 = arith.constant 24 : i32
    %dma_start3A_219 = arith.constant 12288 : i32
    %dma_start3A_220 = tpu.memref_slice %arg6[%dma_start3A_219] : memref<13312xi32, #tpu.memory_space<vmem>> -> memref<512xi32, #tpu.memory_space<vmem>>
    %dma_start3A_221 = tpu.memref_slice %arg2[%dma_start3A_218, %mul3A_2] : memref<26x16384xi32, #tpu.memory_space<hbm>> -> memref<1x512xi32, #tpu.memory_space<hbm>>
    %dma_start3A_222 = tpu.memref_squeeze %dma_start3A_221 : memref<1x512xi32, #tpu.memory_space<hbm>> -> memref<512xi32, #tpu.memory_space<hbm>>
    %dma_start3A_223 = arith.constant 12288 : i32
    %dma_start3A_224 = tpu.memref_slice %arg6[%dma_start3A_223] : memref<13312xi32, #tpu.memory_space<vmem>> -> memref<512xi32, #tpu.memory_space<vmem>>
    %dma_start3A_225 = tpu.memref_slice %arg2[%dma_start3A_218, %mul3A_2] : memref<26x16384xi32, #tpu.memory_space<hbm>> -> memref<1x512xi32, #tpu.memory_space<hbm>>
    %dma_start3A_226 = tpu.memref_squeeze %dma_start3A_225 : memref<1x512xi32, #tpu.memory_space<hbm>> -> memref<512xi32, #tpu.memory_space<hbm>>
    tpu.enqueue_dma source(%dma_start3A_226 : memref<512xi32, #tpu.memory_space<hbm>>) target(%dma_start3A_224 : memref<512xi32, #tpu.memory_space<vmem>>) target_semaphore(%arg17 : memref<!tpu.dma_semaphore, #tpu.memory_space<semaphore_mem>>)
    %dma_start3A_227 = arith.constant 25 : i32
    %dma_start3A_228 = arith.constant 12800 : i32
    %dma_start3A_229 = tpu.memref_slice %arg6[%dma_start3A_228] : memref<13312xi32, #tpu.memory_space<vmem>> -> memref<512xi32, #tpu.memory_space<vmem>>
    %dma_start3A_230 = tpu.memref_slice %arg2[%dma_start3A_227, %mul3A_2] : memref<26x16384xi32, #tpu.memory_space<hbm>> -> memref<1x512xi32, #tpu.memory_space<hbm>>
    %dma_start3A_231 = tpu.memref_squeeze %dma_start3A_230 : memref<1x512xi32, #tpu.memory_space<hbm>> -> memref<512xi32, #tpu.memory_space<hbm>>
    %dma_start3A_232 = arith.constant 12800 : i32
    %dma_start3A_233 = tpu.memref_slice %arg6[%dma_start3A_232] : memref<13312xi32, #tpu.memory_space<vmem>> -> memref<512xi32, #tpu.memory_space<vmem>>
    %dma_start3A_234 = tpu.memref_slice %arg2[%dma_start3A_227, %mul3A_2] : memref<26x16384xi32, #tpu.memory_space<hbm>> -> memref<1x512xi32, #tpu.memory_space<hbm>>
    %dma_start3A_235 = tpu.memref_squeeze %dma_start3A_234 : memref<1x512xi32, #tpu.memory_space<hbm>> -> memref<512xi32, #tpu.memory_space<hbm>>
    tpu.enqueue_dma source(%dma_start3A_235 : memref<512xi32, #tpu.memory_space<hbm>>) target(%dma_start3A_233 : memref<512xi32, #tpu.memory_space<vmem>>) target_semaphore(%arg17 : memref<!tpu.dma_semaphore, #tpu.memory_space<semaphore_mem>>)
    %dma_wait3A = arith.constant 0 : i32
    %dma_wait3A_236 = arith.constant 0 : i32
    %dma_wait3A_237 = tpu.memref_slice %arg6[%dma_wait3A_236] : memref<13312xi32, #tpu.memory_space<vmem>> -> memref<512xi32, #tpu.memory_space<vmem>>
    %dma_wait3A_238 = tpu.memref_slice %arg2[%dma_wait3A, %mul3A_2] : memref<26x16384xi32, #tpu.memory_space<hbm>> -> memref<1x512xi32, #tpu.memory_space<hbm>>
    %dma_wait3A_239 = tpu.memref_squeeze %dma_wait3A_238 : memref<1x512xi32, #tpu.memory_space<hbm>> -> memref<512xi32, #tpu.memory_space<hbm>>
    %dma_wait3A_240 = arith.constant 0 : i32
    %dma_wait3A_241 = tpu.memref_slice %arg6[%dma_wait3A_240] : memref<13312xi32, #tpu.memory_space<vmem>> -> memref<512xi32, #tpu.memory_space<vmem>>
    %dma_wait3A_242 = tpu.memref_slice %arg2[%dma_wait3A, %mul3A_2] : memref<26x16384xi32, #tpu.memory_space<hbm>> -> memref<1x512xi32, #tpu.memory_space<hbm>>
    %dma_wait3A_243 = tpu.memref_squeeze %dma_wait3A_242 : memref<1x512xi32, #tpu.memory_space<hbm>> -> memref<512xi32, #tpu.memory_space<hbm>>
    tpu.wait_dma2 semaphore(%arg10 : memref<!tpu.dma_semaphore, #tpu.memory_space<semaphore_mem>>) src(%dma_wait3A_243 : memref<512xi32, #tpu.memory_space<hbm>>) dst(%dma_wait3A_241 : memref<512xi32, #tpu.memory_space<vmem>>)
    %dma_wait3A_244 = arith.constant 1 : i32
    %dma_wait3A_245 = arith.constant 512 : i32
    %dma_wait3A_246 = tpu.memref_slice %arg6[%dma_wait3A_245] : memref<13312xi32, #tpu.memory_space<vmem>> -> memref<512xi32, #tpu.memory_space<vmem>>
    %dma_wait3A_247 = tpu.memref_slice %arg2[%dma_wait3A_244, %mul3A_2] : memref<26x16384xi32, #tpu.memory_space<hbm>> -> memref<1x512xi32, #tpu.memory_space<hbm>>
    %dma_wait3A_248 = tpu.memref_squeeze %dma_wait3A_247 : memref<1x512xi32, #tpu.memory_space<hbm>> -> memref<512xi32, #tpu.memory_space<hbm>>
    %dma_wait3A_249 = arith.constant 512 : i32
    %dma_wait3A_250 = tpu.memref_slice %arg6[%dma_wait3A_249] : memref<13312xi32, #tpu.memory_space<vmem>> -> memref<512xi32, #tpu.memory_space<vmem>>
    %dma_wait3A_251 = tpu.memref_slice %arg2[%dma_wait3A_244, %mul3A_2] : memref<26x16384xi32, #tpu.memory_space<hbm>> -> memref<1x512xi32, #tpu.memory_space<hbm>>
    %dma_wait3A_252 = tpu.memref_squeeze %dma_wait3A_251 : memref<1x512xi32, #tpu.memory_space<hbm>> -> memref<512xi32, #tpu.memory_space<hbm>>
    tpu.wait_dma2 semaphore(%arg10 : memref<!tpu.dma_semaphore, #tpu.memory_space<semaphore_mem>>) src(%dma_wait3A_252 : memref<512xi32, #tpu.memory_space<hbm>>) dst(%dma_wait3A_250 : memref<512xi32, #tpu.memory_space<vmem>>)
    %dma_wait3A_253 = arith.constant 2 : i32
    %dma_wait3A_254 = arith.constant 1024 : i32
    %dma_wait3A_255 = tpu.memref_slice %arg6[%dma_wait3A_254] : memref<13312xi32, #tpu.memory_space<vmem>> -> memref<512xi32, #tpu.memory_space<vmem>>
    %dma_wait3A_256 = tpu.memref_slice %arg2[%dma_wait3A_253, %mul3A_2] : memref<26x16384xi32, #tpu.memory_space<hbm>> -> memref<1x512xi32, #tpu.memory_space<hbm>>
    %dma_wait3A_257 = tpu.memref_squeeze %dma_wait3A_256 : memref<1x512xi32, #tpu.memory_space<hbm>> -> memref<512xi32, #tpu.memory_space<hbm>>
    %dma_wait3A_258 = arith.constant 1024 : i32
    %dma_wait3A_259 = tpu.memref_slice %arg6[%dma_wait3A_258] : memref<13312xi32, #tpu.memory_space<vmem>> -> memref<512xi32, #tpu.memory_space<vmem>>
    %dma_wait3A_260 = tpu.memref_slice %arg2[%dma_wait3A_253, %mul3A_2] : memref<26x16384xi32, #tpu.memory_space<hbm>> -> memref<1x512xi32, #tpu.memory_space<hbm>>
    %dma_wait3A_261 = tpu.memref_squeeze %dma_wait3A_260 : memref<1x512xi32, #tpu.memory_space<hbm>> -> memref<512xi32, #tpu.memory_space<hbm>>
    tpu.wait_dma2 semaphore(%arg10 : memref<!tpu.dma_semaphore, #tpu.memory_space<semaphore_mem>>) src(%dma_wait3A_261 : memref<512xi32, #tpu.memory_space<hbm>>) dst(%dma_wait3A_259 : memref<512xi32, #tpu.memory_space<vmem>>)
    %dma_wait3A_262 = arith.constant 3 : i32
    %dma_wait3A_263 = arith.constant 1536 : i32
    %dma_wait3A_264 = tpu.memref_slice %arg6[%dma_wait3A_263] : memref<13312xi32, #tpu.memory_space<vmem>> -> memref<512xi32, #tpu.memory_space<vmem>>
    %dma_wait3A_265 = tpu.memref_slice %arg2[%dma_wait3A_262, %mul3A_2] : memref<26x16384xi32, #tpu.memory_space<hbm>> -> memref<1x512xi32, #tpu.memory_space<hbm>>
    %dma_wait3A_266 = tpu.memref_squeeze %dma_wait3A_265 : memref<1x512xi32, #tpu.memory_space<hbm>> -> memref<512xi32, #tpu.memory_space<hbm>>
    %dma_wait3A_267 = arith.constant 1536 : i32
    %dma_wait3A_268 = tpu.memref_slice %arg6[%dma_wait3A_267] : memref<13312xi32, #tpu.memory_space<vmem>> -> memref<512xi32, #tpu.memory_space<vmem>>
    %dma_wait3A_269 = tpu.memref_slice %arg2[%dma_wait3A_262, %mul3A_2] : memref<26x16384xi32, #tpu.memory_space<hbm>> -> memref<1x512xi32, #tpu.memory_space<hbm>>
    %dma_wait3A_270 = tpu.memref_squeeze %dma_wait3A_269 : memref<1x512xi32, #tpu.memory_space<hbm>> -> memref<512xi32, #tpu.memory_space<hbm>>
    tpu.wait_dma2 semaphore(%arg10 : memref<!tpu.dma_semaphore, #tpu.memory_space<semaphore_mem>>) src(%dma_wait3A_270 : memref<512xi32, #tpu.memory_space<hbm>>) dst(%dma_wait3A_268 : memref<512xi32, #tpu.memory_space<vmem>>)
    %dma_start3A_271 = arith.constant 0 : i32
    %dma_start3A_272 = tpu.memref_slice %arg7[%dma_start3A_271] : memref<13312xf32, #tpu.memory_space<vmem>> -> memref<512xf32, #tpu.memory_space<vmem>>
    %dma_start3A_273 = arith.constant 0 : i32
    %dma_start3A_274 = tpu.memref_slice %arg6[%dma_start3A_273] : memref<13312xi32, #tpu.memory_space<vmem>> -> memref<512xi32, #tpu.memory_space<vmem>>
    %dma_start3A_275 = arith.constant 0 : i32
    %dma_start3A_276 = tpu.memref_slice %arg3[%dma_start3A_275] : memref<1000448xf32, #tpu.memory_space<hbm>> -> memref<1000448xf32, #tpu.memory_space<hbm>>
    tpu.enqueue_indirect_dma source(%dma_start3A_276 : memref<1000448xf32, #tpu.memory_space<hbm>>) target(%dma_start3A_272 : memref<512xf32, #tpu.memory_space<vmem>>) offsets(%dma_start3A_274 : memref<512xi32, #tpu.memory_space<vmem>>) semaphore(%arg18 : memref<!tpu.dma_semaphore, #tpu.memory_space<semaphore_mem>>)
    %dma_start3A_277 = arith.constant 512 : i32
    %dma_start3A_278 = tpu.memref_slice %arg7[%dma_start3A_277] : memref<13312xf32, #tpu.memory_space<vmem>> -> memref<512xf32, #tpu.memory_space<vmem>>
    %dma_start3A_279 = arith.constant 512 : i32
    %dma_start3A_280 = tpu.memref_slice %arg6[%dma_start3A_279] : memref<13312xi32, #tpu.memory_space<vmem>> -> memref<512xi32, #tpu.memory_space<vmem>>
    %dma_start3A_281 = arith.constant 0 : i32
    %dma_start3A_282 = tpu.memref_slice %arg3[%dma_start3A_281] : memref<1000448xf32, #tpu.memory_space<hbm>> -> memref<1000448xf32, #tpu.memory_space<hbm>>
    tpu.enqueue_indirect_dma source(%dma_start3A_282 : memref<1000448xf32, #tpu.memory_space<hbm>>) target(%dma_start3A_278 : memref<512xf32, #tpu.memory_space<vmem>>) offsets(%dma_start3A_280 : memref<512xi32, #tpu.memory_space<vmem>>) semaphore(%arg18 : memref<!tpu.dma_semaphore, #tpu.memory_space<semaphore_mem>>)
    %dma_start3A_283 = arith.constant 1024 : i32
    %dma_start3A_284 = tpu.memref_slice %arg7[%dma_start3A_283] : memref<13312xf32, #tpu.memory_space<vmem>> -> memref<512xf32, #tpu.memory_space<vmem>>
    %dma_start3A_285 = arith.constant 1024 : i32
    %dma_start3A_286 = tpu.memref_slice %arg6[%dma_start3A_285] : memref<13312xi32, #tpu.memory_space<vmem>> -> memref<512xi32, #tpu.memory_space<vmem>>
    %dma_start3A_287 = arith.constant 0 : i32
    %dma_start3A_288 = tpu.memref_slice %arg3[%dma_start3A_287] : memref<1000448xf32, #tpu.memory_space<hbm>> -> memref<1000448xf32, #tpu.memory_space<hbm>>
    tpu.enqueue_indirect_dma source(%dma_start3A_288 : memref<1000448xf32, #tpu.memory_space<hbm>>) target(%dma_start3A_284 : memref<512xf32, #tpu.memory_space<vmem>>) offsets(%dma_start3A_286 : memref<512xi32, #tpu.memory_space<vmem>>) semaphore(%arg18 : memref<!tpu.dma_semaphore, #tpu.memory_space<semaphore_mem>>)
    %dma_start3A_289 = arith.constant 1536 : i32
    %dma_start3A_290 = tpu.memref_slice %arg7[%dma_start3A_289] : memref<13312xf32, #tpu.memory_space<vmem>> -> memref<512xf32, #tpu.memory_space<vmem>>
    %dma_start3A_291 = arith.constant 1536 : i32
    %dma_start3A_292 = tpu.memref_slice %arg6[%dma_start3A_291] : memref<13312xi32, #tpu.memory_space<vmem>> -> memref<512xi32, #tpu.memory_space<vmem>>
    %dma_start3A_293 = arith.constant 0 : i32
    %dma_start3A_294 = tpu.memref_slice %arg3[%dma_start3A_293] : memref<1000448xf32, #tpu.memory_space<hbm>> -> memref<1000448xf32, #tpu.memory_space<hbm>>
    tpu.enqueue_indirect_dma source(%dma_start3A_294 : memref<1000448xf32, #tpu.memory_space<hbm>>) target(%dma_start3A_290 : memref<512xf32, #tpu.memory_space<vmem>>) offsets(%dma_start3A_292 : memref<512xi32, #tpu.memory_space<vmem>>) semaphore(%arg18 : memref<!tpu.dma_semaphore, #tpu.memory_space<semaphore_mem>>)
    %dma_wait3A_295 = arith.constant 4 : i32
    %dma_wait3A_296 = arith.constant 2048 : i32
    %dma_wait3A_297 = tpu.memref_slice %arg6[%dma_wait3A_296] : memref<13312xi32, #tpu.memory_space<vmem>> -> memref<512xi32, #tpu.memory_space<vmem>>
    %dma_wait3A_298 = tpu.memref_slice %arg2[%dma_wait3A_295, %mul3A_2] : memref<26x16384xi32, #tpu.memory_space<hbm>> -> memref<1x512xi32, #tpu.memory_space<hbm>>
    %dma_wait3A_299 = tpu.memref_squeeze %dma_wait3A_298 : memref<1x512xi32, #tpu.memory_space<hbm>> -> memref<512xi32, #tpu.memory_space<hbm>>
    %dma_wait3A_300 = arith.constant 2048 : i32
    %dma_wait3A_301 = tpu.memref_slice %arg6[%dma_wait3A_300] : memref<13312xi32, #tpu.memory_space<vmem>> -> memref<512xi32, #tpu.memory_space<vmem>>
    %dma_wait3A_302 = tpu.memref_slice %arg2[%dma_wait3A_295, %mul3A_2] : memref<26x16384xi32, #tpu.memory_space<hbm>> -> memref<1x512xi32, #tpu.memory_space<hbm>>
    %dma_wait3A_303 = tpu.memref_squeeze %dma_wait3A_302 : memref<1x512xi32, #tpu.memory_space<hbm>> -> memref<512xi32, #tpu.memory_space<hbm>>
    tpu.wait_dma2 semaphore(%arg11 : memref<!tpu.dma_semaphore, #tpu.memory_space<semaphore_mem>>) src(%dma_wait3A_303 : memref<512xi32, #tpu.memory_space<hbm>>) dst(%dma_wait3A_301 : memref<512xi32, #tpu.memory_space<vmem>>)
    %dma_wait3A_304 = arith.constant 5 : i32
    %dma_wait3A_305 = arith.constant 2560 : i32
    %dma_wait3A_306 = tpu.memref_slice %arg6[%dma_wait3A_305] : memref<13312xi32, #tpu.memory_space<vmem>> -> memref<512xi32, #tpu.memory_space<vmem>>
    %dma_wait3A_307 = tpu.memref_slice %arg2[%dma_wait3A_304, %mul3A_2] : memref<26x16384xi32, #tpu.memory_space<hbm>> -> memref<1x512xi32, #tpu.memory_space<hbm>>
    %dma_wait3A_308 = tpu.memref_squeeze %dma_wait3A_307 : memref<1x512xi32, #tpu.memory_space<hbm>> -> memref<512xi32, #tpu.memory_space<hbm>>
    %dma_wait3A_309 = arith.constant 2560 : i32
    %dma_wait3A_310 = tpu.memref_slice %arg6[%dma_wait3A_309] : memref<13312xi32, #tpu.memory_space<vmem>> -> memref<512xi32, #tpu.memory_space<vmem>>
    %dma_wait3A_311 = tpu.memref_slice %arg2[%dma_wait3A_304, %mul3A_2] : memref<26x16384xi32, #tpu.memory_space<hbm>> -> memref<1x512xi32, #tpu.memory_space<hbm>>
    %dma_wait3A_312 = tpu.memref_squeeze %dma_wait3A_311 : memref<1x512xi32, #tpu.memory_space<hbm>> -> memref<512xi32, #tpu.memory_space<hbm>>
    tpu.wait_dma2 semaphore(%arg11 : memref<!tpu.dma_semaphore, #tpu.memory_space<semaphore_mem>>) src(%dma_wait3A_312 : memref<512xi32, #tpu.memory_space<hbm>>) dst(%dma_wait3A_310 : memref<512xi32, #tpu.memory_space<vmem>>)
    %dma_wait3A_313 = arith.constant 6 : i32
    %dma_wait3A_314 = arith.constant 3072 : i32
    %dma_wait3A_315 = tpu.memref_slice %arg6[%dma_wait3A_314] : memref<13312xi32, #tpu.memory_space<vmem>> -> memref<512xi32, #tpu.memory_space<vmem>>
    %dma_wait3A_316 = tpu.memref_slice %arg2[%dma_wait3A_313, %mul3A_2] : memref<26x16384xi32, #tpu.memory_space<hbm>> -> memref<1x512xi32, #tpu.memory_space<hbm>>
    %dma_wait3A_317 = tpu.memref_squeeze %dma_wait3A_316 : memref<1x512xi32, #tpu.memory_space<hbm>> -> memref<512xi32, #tpu.memory_space<hbm>>
    %dma_wait3A_318 = arith.constant 3072 : i32
    %dma_wait3A_319 = tpu.memref_slice %arg6[%dma_wait3A_318] : memref<13312xi32, #tpu.memory_space<vmem>> -> memref<512xi32, #tpu.memory_space<vmem>>
    %dma_wait3A_320 = tpu.memref_slice %arg2[%dma_wait3A_313, %mul3A_2] : memref<26x16384xi32, #tpu.memory_space<hbm>> -> memref<1x512xi32, #tpu.memory_space<hbm>>
    %dma_wait3A_321 = tpu.memref_squeeze %dma_wait3A_320 : memref<1x512xi32, #tpu.memory_space<hbm>> -> memref<512xi32, #tpu.memory_space<hbm>>
    tpu.wait_dma2 semaphore(%arg11 : memref<!tpu.dma_semaphore, #tpu.memory_space<semaphore_mem>>) src(%dma_wait3A_321 : memref<512xi32, #tpu.memory_space<hbm>>) dst(%dma_wait3A_319 : memref<512xi32, #tpu.memory_space<vmem>>)
    %dma_wait3A_322 = arith.constant 7 : i32
    %dma_wait3A_323 = arith.constant 3584 : i32
    %dma_wait3A_324 = tpu.memref_slice %arg6[%dma_wait3A_323] : memref<13312xi32, #tpu.memory_space<vmem>> -> memref<512xi32, #tpu.memory_space<vmem>>
    %dma_wait3A_325 = tpu.memref_slice %arg2[%dma_wait3A_322, %mul3A_2] : memref<26x16384xi32, #tpu.memory_space<hbm>> -> memref<1x512xi32, #tpu.memory_space<hbm>>
    %dma_wait3A_326 = tpu.memref_squeeze %dma_wait3A_325 : memref<1x512xi32, #tpu.memory_space<hbm>> -> memref<512xi32, #tpu.memory_space<hbm>>
    %dma_wait3A_327 = arith.constant 3584 : i32
    %dma_wait3A_328 = tpu.memref_slice %arg6[%dma_wait3A_327] : memref<13312xi32, #tpu.memory_space<vmem>> -> memref<512xi32, #tpu.memory_space<vmem>>
    %dma_wait3A_329 = tpu.memref_slice %arg2[%dma_wait3A_322, %mul3A_2] : memref<26x16384xi32, #tpu.memory_space<hbm>> -> memref<1x512xi32, #tpu.memory_space<hbm>>
    %dma_wait3A_330 = tpu.memref_squeeze %dma_wait3A_329 : memref<1x512xi32, #tpu.memory_space<hbm>> -> memref<512xi32, #tpu.memory_space<hbm>>
    tpu.wait_dma2 semaphore(%arg11 : memref<!tpu.dma_semaphore, #tpu.memory_space<semaphore_mem>>) src(%dma_wait3A_330 : memref<512xi32, #tpu.memory_space<hbm>>) dst(%dma_wait3A_328 : memref<512xi32, #tpu.memory_space<vmem>>)
    %dma_start3A_331 = arith.constant 2048 : i32
    %dma_start3A_332 = tpu.memref_slice %arg7[%dma_start3A_331] : memref<13312xf32, #tpu.memory_space<vmem>> -> memref<512xf32, #tpu.memory_space<vmem>>
    %dma_start3A_333 = arith.constant 2048 : i32
    %dma_start3A_334 = tpu.memref_slice %arg6[%dma_start3A_333] : memref<13312xi32, #tpu.memory_space<vmem>> -> memref<512xi32, #tpu.memory_space<vmem>>
    %dma_start3A_335 = arith.constant 0 : i32
    %dma_start3A_336 = tpu.memref_slice %arg3[%dma_start3A_335] : memref<1000448xf32, #tpu.memory_space<hbm>> -> memref<1000448xf32, #tpu.memory_space<hbm>>
    tpu.enqueue_indirect_dma source(%dma_start3A_336 : memref<1000448xf32, #tpu.memory_space<hbm>>) target(%dma_start3A_332 : memref<512xf32, #tpu.memory_space<vmem>>) offsets(%dma_start3A_334 : memref<512xi32, #tpu.memory_space<vmem>>) semaphore(%arg19 : memref<!tpu.dma_semaphore, #tpu.memory_space<semaphore_mem>>)
    %dma_start3A_337 = arith.constant 2560 : i32
    %dma_start3A_338 = tpu.memref_slice %arg7[%dma_start3A_337] : memref<13312xf32, #tpu.memory_space<vmem>> -> memref<512xf32, #tpu.memory_space<vmem>>
    %dma_start3A_339 = arith.constant 2560 : i32
    %dma_start3A_340 = tpu.memref_slice %arg6[%dma_start3A_339] : memref<13312xi32, #tpu.memory_space<vmem>> -> memref<512xi32, #tpu.memory_space<vmem>>
    %dma_start3A_341 = arith.constant 0 : i32
    %dma_start3A_342 = tpu.memref_slice %arg3[%dma_start3A_341] : memref<1000448xf32, #tpu.memory_space<hbm>> -> memref<1000448xf32, #tpu.memory_space<hbm>>
    tpu.enqueue_indirect_dma source(%dma_start3A_342 : memref<1000448xf32, #tpu.memory_space<hbm>>) target(%dma_start3A_338 : memref<512xf32, #tpu.memory_space<vmem>>) offsets(%dma_start3A_340 : memref<512xi32, #tpu.memory_space<vmem>>) semaphore(%arg19 : memref<!tpu.dma_semaphore, #tpu.memory_space<semaphore_mem>>)
    %dma_start3A_343 = arith.constant 3072 : i32
    %dma_start3A_344 = tpu.memref_slice %arg7[%dma_start3A_343] : memref<13312xf32, #tpu.memory_space<vmem>> -> memref<512xf32, #tpu.memory_space<vmem>>
    %dma_start3A_345 = arith.constant 3072 : i32
    %dma_start3A_346 = tpu.memref_slice %arg6[%dma_start3A_345] : memref<13312xi32, #tpu.memory_space<vmem>> -> memref<512xi32, #tpu.memory_space<vmem>>
    %dma_start3A_347 = arith.constant 0 : i32
    %dma_start3A_348 = tpu.memref_slice %arg3[%dma_start3A_347] : memref<1000448xf32, #tpu.memory_space<hbm>> -> memref<1000448xf32, #tpu.memory_space<hbm>>
    tpu.enqueue_indirect_dma source(%dma_start3A_348 : memref<1000448xf32, #tpu.memory_space<hbm>>) target(%dma_start3A_344 : memref<512xf32, #tpu.memory_space<vmem>>) offsets(%dma_start3A_346 : memref<512xi32, #tpu.memory_space<vmem>>) semaphore(%arg19 : memref<!tpu.dma_semaphore, #tpu.memory_space<semaphore_mem>>)
    %dma_start3A_349 = arith.constant 3584 : i32
    %dma_start3A_350 = tpu.memref_slice %arg7[%dma_start3A_349] : memref<13312xf32, #tpu.memory_space<vmem>> -> memref<512xf32, #tpu.memory_space<vmem>>
    %dma_start3A_351 = arith.constant 3584 : i32
    %dma_start3A_352 = tpu.memref_slice %arg6[%dma_start3A_351] : memref<13312xi32, #tpu.memory_space<vmem>> -> memref<512xi32, #tpu.memory_space<vmem>>
    %dma_start3A_353 = arith.constant 0 : i32
    %dma_start3A_354 = tpu.memref_slice %arg3[%dma_start3A_353] : memref<1000448xf32, #tpu.memory_space<hbm>> -> memref<1000448xf32, #tpu.memory_space<hbm>>
    tpu.enqueue_indirect_dma source(%dma_start3A_354 : memref<1000448xf32, #tpu.memory_space<hbm>>) target(%dma_start3A_350 : memref<512xf32, #tpu.memory_space<vmem>>) offsets(%dma_start3A_352 : memref<512xi32, #tpu.memory_space<vmem>>) semaphore(%arg19 : memref<!tpu.dma_semaphore, #tpu.memory_space<semaphore_mem>>)
    %dma_wait3A_355 = arith.constant 8 : i32
    %dma_wait3A_356 = arith.constant 4096 : i32
    %dma_wait3A_357 = tpu.memref_slice %arg6[%dma_wait3A_356] : memref<13312xi32, #tpu.memory_space<vmem>> -> memref<512xi32, #tpu.memory_space<vmem>>
    %dma_wait3A_358 = tpu.memref_slice %arg2[%dma_wait3A_355, %mul3A_2] : memref<26x16384xi32, #tpu.memory_space<hbm>> -> memref<1x512xi32, #tpu.memory_space<hbm>>
    %dma_wait3A_359 = tpu.memref_squeeze %dma_wait3A_358 : memref<1x512xi32, #tpu.memory_space<hbm>> -> memref<512xi32, #tpu.memory_space<hbm>>
    %dma_wait3A_360 = arith.constant 4096 : i32
    %dma_wait3A_361 = tpu.memref_slice %arg6[%dma_wait3A_360] : memref<13312xi32, #tpu.memory_space<vmem>> -> memref<512xi32, #tpu.memory_space<vmem>>
    %dma_wait3A_362 = tpu.memref_slice %arg2[%dma_wait3A_355, %mul3A_2] : memref<26x16384xi32, #tpu.memory_space<hbm>> -> memref<1x512xi32, #tpu.memory_space<hbm>>
    %dma_wait3A_363 = tpu.memref_squeeze %dma_wait3A_362 : memref<1x512xi32, #tpu.memory_space<hbm>> -> memref<512xi32, #tpu.memory_space<hbm>>
    tpu.wait_dma2 semaphore(%arg12 : memref<!tpu.dma_semaphore, #tpu.memory_space<semaphore_mem>>) src(%dma_wait3A_363 : memref<512xi32, #tpu.memory_space<hbm>>) dst(%dma_wait3A_361 : memref<512xi32, #tpu.memory_space<vmem>>)
    %dma_wait3A_364 = arith.constant 9 : i32
    %dma_wait3A_365 = arith.constant 4608 : i32
    %dma_wait3A_366 = tpu.memref_slice %arg6[%dma_wait3A_365] : memref<13312xi32, #tpu.memory_space<vmem>> -> memref<512xi32, #tpu.memory_space<vmem>>
    %dma_wait3A_367 = tpu.memref_slice %arg2[%dma_wait3A_364, %mul3A_2] : memref<26x16384xi32, #tpu.memory_space<hbm>> -> memref<1x512xi32, #tpu.memory_space<hbm>>
    %dma_wait3A_368 = tpu.memref_squeeze %dma_wait3A_367 : memref<1x512xi32, #tpu.memory_space<hbm>> -> memref<512xi32, #tpu.memory_space<hbm>>
    %dma_wait3A_369 = arith.constant 4608 : i32
    %dma_wait3A_370 = tpu.memref_slice %arg6[%dma_wait3A_369] : memref<13312xi32, #tpu.memory_space<vmem>> -> memref<512xi32, #tpu.memory_space<vmem>>
    %dma_wait3A_371 = tpu.memref_slice %arg2[%dma_wait3A_364, %mul3A_2] : memref<26x16384xi32, #tpu.memory_space<hbm>> -> memref<1x512xi32, #tpu.memory_space<hbm>>
    %dma_wait3A_372 = tpu.memref_squeeze %dma_wait3A_371 : memref<1x512xi32, #tpu.memory_space<hbm>> -> memref<512xi32, #tpu.memory_space<hbm>>
    tpu.wait_dma2 semaphore(%arg12 : memref<!tpu.dma_semaphore, #tpu.memory_space<semaphore_mem>>) src(%dma_wait3A_372 : memref<512xi32, #tpu.memory_space<hbm>>) dst(%dma_wait3A_370 : memref<512xi32, #tpu.memory_space<vmem>>)
    %dma_wait3A_373 = arith.constant 10 : i32
    %dma_wait3A_374 = arith.constant 5120 : i32
    %dma_wait3A_375 = tpu.memref_slice %arg6[%dma_wait3A_374] : memref<13312xi32, #tpu.memory_space<vmem>> -> memref<512xi32, #tpu.memory_space<vmem>>
    %dma_wait3A_376 = tpu.memref_slice %arg2[%dma_wait3A_373, %mul3A_2] : memref<26x16384xi32, #tpu.memory_space<hbm>> -> memref<1x512xi32, #tpu.memory_space<hbm>>
    %dma_wait3A_377 = tpu.memref_squeeze %dma_wait3A_376 : memref<1x512xi32, #tpu.memory_space<hbm>> -> memref<512xi32, #tpu.memory_space<hbm>>
    %dma_wait3A_378 = arith.constant 5120 : i32
    %dma_wait3A_379 = tpu.memref_slice %arg6[%dma_wait3A_378] : memref<13312xi32, #tpu.memory_space<vmem>> -> memref<512xi32, #tpu.memory_space<vmem>>
    %dma_wait3A_380 = tpu.memref_slice %arg2[%dma_wait3A_373, %mul3A_2] : memref<26x16384xi32, #tpu.memory_space<hbm>> -> memref<1x512xi32, #tpu.memory_space<hbm>>
    %dma_wait3A_381 = tpu.memref_squeeze %dma_wait3A_380 : memref<1x512xi32, #tpu.memory_space<hbm>> -> memref<512xi32, #tpu.memory_space<hbm>>
    tpu.wait_dma2 semaphore(%arg12 : memref<!tpu.dma_semaphore, #tpu.memory_space<semaphore_mem>>) src(%dma_wait3A_381 : memref<512xi32, #tpu.memory_space<hbm>>) dst(%dma_wait3A_379 : memref<512xi32, #tpu.memory_space<vmem>>)
    %dma_start3A_382 = arith.constant 4096 : i32
    %dma_start3A_383 = tpu.memref_slice %arg7[%dma_start3A_382] : memref<13312xf32, #tpu.memory_space<vmem>> -> memref<512xf32, #tpu.memory_space<vmem>>
    %dma_start3A_384 = arith.constant 4096 : i32
    %dma_start3A_385 = tpu.memref_slice %arg6[%dma_start3A_384] : memref<13312xi32, #tpu.memory_space<vmem>> -> memref<512xi32, #tpu.memory_space<vmem>>
    %dma_start3A_386 = arith.constant 0 : i32
    %dma_start3A_387 = tpu.memref_slice %arg3[%dma_start3A_386] : memref<1000448xf32, #tpu.memory_space<hbm>> -> memref<1000448xf32, #tpu.memory_space<hbm>>
    tpu.enqueue_indirect_dma source(%dma_start3A_387 : memref<1000448xf32, #tpu.memory_space<hbm>>) target(%dma_start3A_383 : memref<512xf32, #tpu.memory_space<vmem>>) offsets(%dma_start3A_385 : memref<512xi32, #tpu.memory_space<vmem>>) semaphore(%arg20 : memref<!tpu.dma_semaphore, #tpu.memory_space<semaphore_mem>>)
    %dma_start3A_388 = arith.constant 4608 : i32
    %dma_start3A_389 = tpu.memref_slice %arg7[%dma_start3A_388] : memref<13312xf32, #tpu.memory_space<vmem>> -> memref<512xf32, #tpu.memory_space<vmem>>
    %dma_start3A_390 = arith.constant 4608 : i32
    %dma_start3A_391 = tpu.memref_slice %arg6[%dma_start3A_390] : memref<13312xi32, #tpu.memory_space<vmem>> -> memref<512xi32, #tpu.memory_space<vmem>>
    %dma_start3A_392 = arith.constant 0 : i32
    %dma_start3A_393 = tpu.memref_slice %arg3[%dma_start3A_392] : memref<1000448xf32, #tpu.memory_space<hbm>> -> memref<1000448xf32, #tpu.memory_space<hbm>>
    tpu.enqueue_indirect_dma source(%dma_start3A_393 : memref<1000448xf32, #tpu.memory_space<hbm>>) target(%dma_start3A_389 : memref<512xf32, #tpu.memory_space<vmem>>) offsets(%dma_start3A_391 : memref<512xi32, #tpu.memory_space<vmem>>) semaphore(%arg20 : memref<!tpu.dma_semaphore, #tpu.memory_space<semaphore_mem>>)
    %dma_start3A_394 = arith.constant 5120 : i32
    %dma_start3A_395 = tpu.memref_slice %arg7[%dma_start3A_394] : memref<13312xf32, #tpu.memory_space<vmem>> -> memref<512xf32, #tpu.memory_space<vmem>>
    %dma_start3A_396 = arith.constant 5120 : i32
    %dma_start3A_397 = tpu.memref_slice %arg6[%dma_start3A_396] : memref<13312xi32, #tpu.memory_space<vmem>> -> memref<512xi32, #tpu.memory_space<vmem>>
    %dma_start3A_398 = arith.constant 0 : i32
    %dma_start3A_399 = tpu.memref_slice %arg3[%dma_start3A_398] : memref<1000448xf32, #tpu.memory_space<hbm>> -> memref<1000448xf32, #tpu.memory_space<hbm>>
    tpu.enqueue_indirect_dma source(%dma_start3A_399 : memref<1000448xf32, #tpu.memory_space<hbm>>) target(%dma_start3A_395 : memref<512xf32, #tpu.memory_space<vmem>>) offsets(%dma_start3A_397 : memref<512xi32, #tpu.memory_space<vmem>>) semaphore(%arg20 : memref<!tpu.dma_semaphore, #tpu.memory_space<semaphore_mem>>)
    %dma_wait3A_400 = arith.constant 11 : i32
    %dma_wait3A_401 = arith.constant 5632 : i32
    %dma_wait3A_402 = tpu.memref_slice %arg6[%dma_wait3A_401] : memref<13312xi32, #tpu.memory_space<vmem>> -> memref<512xi32, #tpu.memory_space<vmem>>
    %dma_wait3A_403 = tpu.memref_slice %arg2[%dma_wait3A_400, %mul3A_2] : memref<26x16384xi32, #tpu.memory_space<hbm>> -> memref<1x512xi32, #tpu.memory_space<hbm>>
    %dma_wait3A_404 = tpu.memref_squeeze %dma_wait3A_403 : memref<1x512xi32, #tpu.memory_space<hbm>> -> memref<512xi32, #tpu.memory_space<hbm>>
    %dma_wait3A_405 = arith.constant 5632 : i32
    %dma_wait3A_406 = tpu.memref_slice %arg6[%dma_wait3A_405] : memref<13312xi32, #tpu.memory_space<vmem>> -> memref<512xi32, #tpu.memory_space<vmem>>
    %dma_wait3A_407 = tpu.memref_slice %arg2[%dma_wait3A_400, %mul3A_2] : memref<26x16384xi32, #tpu.memory_space<hbm>> -> memref<1x512xi32, #tpu.memory_space<hbm>>
    %dma_wait3A_408 = tpu.memref_squeeze %dma_wait3A_407 : memref<1x512xi32, #tpu.memory_space<hbm>> -> memref<512xi32, #tpu.memory_space<hbm>>
    tpu.wait_dma2 semaphore(%arg13 : memref<!tpu.dma_semaphore, #tpu.memory_space<semaphore_mem>>) src(%dma_wait3A_408 : memref<512xi32, #tpu.memory_space<hbm>>) dst(%dma_wait3A_406 : memref<512xi32, #tpu.memory_space<vmem>>)
    %dma_wait3A_409 = arith.constant 12 : i32
    %dma_wait3A_410 = arith.constant 6144 : i32
    %dma_wait3A_411 = tpu.memref_slice %arg6[%dma_wait3A_410] : memref<13312xi32, #tpu.memory_space<vmem>> -> memref<512xi32, #tpu.memory_space<vmem>>
    %dma_wait3A_412 = tpu.memref_slice %arg2[%dma_wait3A_409, %mul3A_2] : memref<26x16384xi32, #tpu.memory_space<hbm>> -> memref<1x512xi32, #tpu.memory_space<hbm>>
    %dma_wait3A_413 = tpu.memref_squeeze %dma_wait3A_412 : memref<1x512xi32, #tpu.memory_space<hbm>> -> memref<512xi32, #tpu.memory_space<hbm>>
    %dma_wait3A_414 = arith.constant 6144 : i32
    %dma_wait3A_415 = tpu.memref_slice %arg6[%dma_wait3A_414] : memref<13312xi32, #tpu.memory_space<vmem>> -> memref<512xi32, #tpu.memory_space<vmem>>
    %dma_wait3A_416 = tpu.memref_slice %arg2[%dma_wait3A_409, %mul3A_2] : memref<26x16384xi32, #tpu.memory_space<hbm>> -> memref<1x512xi32, #tpu.memory_space<hbm>>
    %dma_wait3A_417 = tpu.memref_squeeze %dma_wait3A_416 : memref<1x512xi32, #tpu.memory_space<hbm>> -> memref<512xi32, #tpu.memory_space<hbm>>
    tpu.wait_dma2 semaphore(%arg13 : memref<!tpu.dma_semaphore, #tpu.memory_space<semaphore_mem>>) src(%dma_wait3A_417 : memref<512xi32, #tpu.memory_space<hbm>>) dst(%dma_wait3A_415 : memref<512xi32, #tpu.memory_space<vmem>>)
    %dma_wait3A_418 = arith.constant 13 : i32
    %dma_wait3A_419 = arith.constant 6656 : i32
    %dma_wait3A_420 = tpu.memref_slice %arg6[%dma_wait3A_419] : memref<13312xi32, #tpu.memory_space<vmem>> -> memref<512xi32, #tpu.memory_space<vmem>>
    %dma_wait3A_421 = tpu.memref_slice %arg2[%dma_wait3A_418, %mul3A_2] : memref<26x16384xi32, #tpu.memory_space<hbm>> -> memref<1x512xi32, #tpu.memory_space<hbm>>
    %dma_wait3A_422 = tpu.memref_squeeze %dma_wait3A_421 : memref<1x512xi32, #tpu.memory_space<hbm>> -> memref<512xi32, #tpu.memory_space<hbm>>
    %dma_wait3A_423 = arith.constant 6656 : i32
    %dma_wait3A_424 = tpu.memref_slice %arg6[%dma_wait3A_423] : memref<13312xi32, #tpu.memory_space<vmem>> -> memref<512xi32, #tpu.memory_space<vmem>>
    %dma_wait3A_425 = tpu.memref_slice %arg2[%dma_wait3A_418, %mul3A_2] : memref<26x16384xi32, #tpu.memory_space<hbm>> -> memref<1x512xi32, #tpu.memory_space<hbm>>
    %dma_wait3A_426 = tpu.memref_squeeze %dma_wait3A_425 : memref<1x512xi32, #tpu.memory_space<hbm>> -> memref<512xi32, #tpu.memory_space<hbm>>
    tpu.wait_dma2 semaphore(%arg13 : memref<!tpu.dma_semaphore, #tpu.memory_space<semaphore_mem>>) src(%dma_wait3A_426 : memref<512xi32, #tpu.memory_space<hbm>>) dst(%dma_wait3A_424 : memref<512xi32, #tpu.memory_space<vmem>>)
    %dma_start3A_427 = arith.constant 5632 : i32
    %dma_start3A_428 = tpu.memref_slice %arg7[%dma_start3A_427] : memref<13312xf32, #tpu.memory_space<vmem>> -> memref<512xf32, #tpu.memory_space<vmem>>
    %dma_start3A_429 = arith.constant 5632 : i32
    %dma_start3A_430 = tpu.memref_slice %arg6[%dma_start3A_429] : memref<13312xi32, #tpu.memory_space<vmem>> -> memref<512xi32, #tpu.memory_space<vmem>>
    %dma_start3A_431 = arith.constant 0 : i32
    %dma_start3A_432 = tpu.memref_slice %arg3[%dma_start3A_431] : memref<1000448xf32, #tpu.memory_space<hbm>> -> memref<1000448xf32, #tpu.memory_space<hbm>>
    tpu.enqueue_indirect_dma source(%dma_start3A_432 : memref<1000448xf32, #tpu.memory_space<hbm>>) target(%dma_start3A_428 : memref<512xf32, #tpu.memory_space<vmem>>) offsets(%dma_start3A_430 : memref<512xi32, #tpu.memory_space<vmem>>) semaphore(%arg21 : memref<!tpu.dma_semaphore, #tpu.memory_space<semaphore_mem>>)
    %dma_start3A_433 = arith.constant 6144 : i32
    %dma_start3A_434 = tpu.memref_slice %arg7[%dma_start3A_433] : memref<13312xf32, #tpu.memory_space<vmem>> -> memref<512xf32, #tpu.memory_space<vmem>>
    %dma_start3A_435 = arith.constant 6144 : i32
    %dma_start3A_436 = tpu.memref_slice %arg6[%dma_start3A_435] : memref<13312xi32, #tpu.memory_space<vmem>> -> memref<512xi32, #tpu.memory_space<vmem>>
    %dma_start3A_437 = arith.constant 0 : i32
    %dma_start3A_438 = tpu.memref_slice %arg3[%dma_start3A_437] : memref<1000448xf32, #tpu.memory_space<hbm>> -> memref<1000448xf32, #tpu.memory_space<hbm>>
    tpu.enqueue_indirect_dma source(%dma_start3A_438 : memref<1000448xf32, #tpu.memory_space<hbm>>) target(%dma_start3A_434 : memref<512xf32, #tpu.memory_space<vmem>>) offsets(%dma_start3A_436 : memref<512xi32, #tpu.memory_space<vmem>>) semaphore(%arg21 : memref<!tpu.dma_semaphore, #tpu.memory_space<semaphore_mem>>)
    %dma_start3A_439 = arith.constant 6656 : i32
    %dma_start3A_440 = tpu.memref_slice %arg7[%dma_start3A_439] : memref<13312xf32, #tpu.memory_space<vmem>> -> memref<512xf32, #tpu.memory_space<vmem>>
    %dma_start3A_441 = arith.constant 6656 : i32
    %dma_start3A_442 = tpu.memref_slice %arg6[%dma_start3A_441] : memref<13312xi32, #tpu.memory_space<vmem>> -> memref<512xi32, #tpu.memory_space<vmem>>
    %dma_start3A_443 = arith.constant 0 : i32
    %dma_start3A_444 = tpu.memref_slice %arg3[%dma_start3A_443] : memref<1000448xf32, #tpu.memory_space<hbm>> -> memref<1000448xf32, #tpu.memory_space<hbm>>
    tpu.enqueue_indirect_dma source(%dma_start3A_444 : memref<1000448xf32, #tpu.memory_space<hbm>>) target(%dma_start3A_440 : memref<512xf32, #tpu.memory_space<vmem>>) offsets(%dma_start3A_442 : memref<512xi32, #tpu.memory_space<vmem>>) semaphore(%arg21 : memref<!tpu.dma_semaphore, #tpu.memory_space<semaphore_mem>>)
    %dma_wait3A_445 = arith.constant 14 : i32
    %dma_wait3A_446 = arith.constant 7168 : i32
    %dma_wait3A_447 = tpu.memref_slice %arg6[%dma_wait3A_446] : memref<13312xi32, #tpu.memory_space<vmem>> -> memref<512xi32, #tpu.memory_space<vmem>>
    %dma_wait3A_448 = tpu.memref_slice %arg2[%dma_wait3A_445, %mul3A_2] : memref<26x16384xi32, #tpu.memory_space<hbm>> -> memref<1x512xi32, #tpu.memory_space<hbm>>
    %dma_wait3A_449 = tpu.memref_squeeze %dma_wait3A_448 : memref<1x512xi32, #tpu.memory_space<hbm>> -> memref<512xi32, #tpu.memory_space<hbm>>
    %dma_wait3A_450 = arith.constant 7168 : i32
    %dma_wait3A_451 = tpu.memref_slice %arg6[%dma_wait3A_450] : memref<13312xi32, #tpu.memory_space<vmem>> -> memref<512xi32, #tpu.memory_space<vmem>>
    %dma_wait3A_452 = tpu.memref_slice %arg2[%dma_wait3A_445, %mul3A_2] : memref<26x16384xi32, #tpu.memory_space<hbm>> -> memref<1x512xi32, #tpu.memory_space<hbm>>
    %dma_wait3A_453 = tpu.memref_squeeze %dma_wait3A_452 : memref<1x512xi32, #tpu.memory_space<hbm>> -> memref<512xi32, #tpu.memory_space<hbm>>
    tpu.wait_dma2 semaphore(%arg14 : memref<!tpu.dma_semaphore, #tpu.memory_space<semaphore_mem>>) src(%dma_wait3A_453 : memref<512xi32, #tpu.memory_space<hbm>>) dst(%dma_wait3A_451 : memref<512xi32, #tpu.memory_space<vmem>>)
    %dma_wait3A_454 = arith.constant 15 : i32
    %dma_wait3A_455 = arith.constant 7680 : i32
    %dma_wait3A_456 = tpu.memref_slice %arg6[%dma_wait3A_455] : memref<13312xi32, #tpu.memory_space<vmem>> -> memref<512xi32, #tpu.memory_space<vmem>>
    %dma_wait3A_457 = tpu.memref_slice %arg2[%dma_wait3A_454, %mul3A_2] : memref<26x16384xi32, #tpu.memory_space<hbm>> -> memref<1x512xi32, #tpu.memory_space<hbm>>
    %dma_wait3A_458 = tpu.memref_squeeze %dma_wait3A_457 : memref<1x512xi32, #tpu.memory_space<hbm>> -> memref<512xi32, #tpu.memory_space<hbm>>
    %dma_wait3A_459 = arith.constant 7680 : i32
    %dma_wait3A_460 = tpu.memref_slice %arg6[%dma_wait3A_459] : memref<13312xi32, #tpu.memory_space<vmem>> -> memref<512xi32, #tpu.memory_space<vmem>>
    %dma_wait3A_461 = tpu.memref_slice %arg2[%dma_wait3A_454, %mul3A_2] : memref<26x16384xi32, #tpu.memory_space<hbm>> -> memref<1x512xi32, #tpu.memory_space<hbm>>
    %dma_wait3A_462 = tpu.memref_squeeze %dma_wait3A_461 : memref<1x512xi32, #tpu.memory_space<hbm>> -> memref<512xi32, #tpu.memory_space<hbm>>
    tpu.wait_dma2 semaphore(%arg14 : memref<!tpu.dma_semaphore, #tpu.memory_space<semaphore_mem>>) src(%dma_wait3A_462 : memref<512xi32, #tpu.memory_space<hbm>>) dst(%dma_wait3A_460 : memref<512xi32, #tpu.memory_space<vmem>>)
    %dma_wait3A_463 = arith.constant 16 : i32
    %dma_wait3A_464 = arith.constant 8192 : i32
    %dma_wait3A_465 = tpu.memref_slice %arg6[%dma_wait3A_464] : memref<13312xi32, #tpu.memory_space<vmem>> -> memref<512xi32, #tpu.memory_space<vmem>>
    %dma_wait3A_466 = tpu.memref_slice %arg2[%dma_wait3A_463, %mul3A_2] : memref<26x16384xi32, #tpu.memory_space<hbm>> -> memref<1x512xi32, #tpu.memory_space<hbm>>
    %dma_wait3A_467 = tpu.memref_squeeze %dma_wait3A_466 : memref<1x512xi32, #tpu.memory_space<hbm>> -> memref<512xi32, #tpu.memory_space<hbm>>
    %dma_wait3A_468 = arith.constant 8192 : i32
    %dma_wait3A_469 = tpu.memref_slice %arg6[%dma_wait3A_468] : memref<13312xi32, #tpu.memory_space<vmem>> -> memref<512xi32, #tpu.memory_space<vmem>>
    %dma_wait3A_470 = tpu.memref_slice %arg2[%dma_wait3A_463, %mul3A_2] : memref<26x16384xi32, #tpu.memory_space<hbm>> -> memref<1x512xi32, #tpu.memory_space<hbm>>
    %dma_wait3A_471 = tpu.memref_squeeze %dma_wait3A_470 : memref<1x512xi32, #tpu.memory_space<hbm>> -> memref<512xi32, #tpu.memory_space<hbm>>
    tpu.wait_dma2 semaphore(%arg14 : memref<!tpu.dma_semaphore, #tpu.memory_space<semaphore_mem>>) src(%dma_wait3A_471 : memref<512xi32, #tpu.memory_space<hbm>>) dst(%dma_wait3A_469 : memref<512xi32, #tpu.memory_space<vmem>>)
    %dma_start3A_472 = arith.constant 7168 : i32
    %dma_start3A_473 = tpu.memref_slice %arg7[%dma_start3A_472] : memref<13312xf32, #tpu.memory_space<vmem>> -> memref<512xf32, #tpu.memory_space<vmem>>
    %dma_start3A_474 = arith.constant 7168 : i32
    %dma_start3A_475 = tpu.memref_slice %arg6[%dma_start3A_474] : memref<13312xi32, #tpu.memory_space<vmem>> -> memref<512xi32, #tpu.memory_space<vmem>>
    %dma_start3A_476 = arith.constant 0 : i32
    %dma_start3A_477 = tpu.memref_slice %arg3[%dma_start3A_476] : memref<1000448xf32, #tpu.memory_space<hbm>> -> memref<1000448xf32, #tpu.memory_space<hbm>>
    tpu.enqueue_indirect_dma source(%dma_start3A_477 : memref<1000448xf32, #tpu.memory_space<hbm>>) target(%dma_start3A_473 : memref<512xf32, #tpu.memory_space<vmem>>) offsets(%dma_start3A_475 : memref<512xi32, #tpu.memory_space<vmem>>) semaphore(%arg22 : memref<!tpu.dma_semaphore, #tpu.memory_space<semaphore_mem>>)
    %dma_start3A_478 = arith.constant 7680 : i32
    %dma_start3A_479 = tpu.memref_slice %arg7[%dma_start3A_478] : memref<13312xf32, #tpu.memory_space<vmem>> -> memref<512xf32, #tpu.memory_space<vmem>>
    %dma_start3A_480 = arith.constant 7680 : i32
    %dma_start3A_481 = tpu.memref_slice %arg6[%dma_start3A_480] : memref<13312xi32, #tpu.memory_space<vmem>> -> memref<512xi32, #tpu.memory_space<vmem>>
    %dma_start3A_482 = arith.constant 0 : i32
    %dma_start3A_483 = tpu.memref_slice %arg3[%dma_start3A_482] : memref<1000448xf32, #tpu.memory_space<hbm>> -> memref<1000448xf32, #tpu.memory_space<hbm>>
    tpu.enqueue_indirect_dma source(%dma_start3A_483 : memref<1000448xf32, #tpu.memory_space<hbm>>) target(%dma_start3A_479 : memref<512xf32, #tpu.memory_space<vmem>>) offsets(%dma_start3A_481 : memref<512xi32, #tpu.memory_space<vmem>>) semaphore(%arg22 : memref<!tpu.dma_semaphore, #tpu.memory_space<semaphore_mem>>)
    %dma_start3A_484 = arith.constant 8192 : i32
    %dma_start3A_485 = tpu.memref_slice %arg7[%dma_start3A_484] : memref<13312xf32, #tpu.memory_space<vmem>> -> memref<512xf32, #tpu.memory_space<vmem>>
    %dma_start3A_486 = arith.constant 8192 : i32
    %dma_start3A_487 = tpu.memref_slice %arg6[%dma_start3A_486] : memref<13312xi32, #tpu.memory_space<vmem>> -> memref<512xi32, #tpu.memory_space<vmem>>
    %dma_start3A_488 = arith.constant 0 : i32
    %dma_start3A_489 = tpu.memref_slice %arg3[%dma_start3A_488] : memref<1000448xf32, #tpu.memory_space<hbm>> -> memref<1000448xf32, #tpu.memory_space<hbm>>
    tpu.enqueue_indirect_dma source(%dma_start3A_489 : memref<1000448xf32, #tpu.memory_space<hbm>>) target(%dma_start3A_485 : memref<512xf32, #tpu.memory_space<vmem>>) offsets(%dma_start3A_487 : memref<512xi32, #tpu.memory_space<vmem>>) semaphore(%arg22 : memref<!tpu.dma_semaphore, #tpu.memory_space<semaphore_mem>>)
    %dma_wait3A_490 = arith.constant 17 : i32
    %dma_wait3A_491 = arith.constant 8704 : i32
    %dma_wait3A_492 = tpu.memref_slice %arg6[%dma_wait3A_491] : memref<13312xi32, #tpu.memory_space<vmem>> -> memref<512xi32, #tpu.memory_space<vmem>>
    %dma_wait3A_493 = tpu.memref_slice %arg2[%dma_wait3A_490, %mul3A_2] : memref<26x16384xi32, #tpu.memory_space<hbm>> -> memref<1x512xi32, #tpu.memory_space<hbm>>
    %dma_wait3A_494 = tpu.memref_squeeze %dma_wait3A_493 : memref<1x512xi32, #tpu.memory_space<hbm>> -> memref<512xi32, #tpu.memory_space<hbm>>
    %dma_wait3A_495 = arith.constant 8704 : i32
    %dma_wait3A_496 = tpu.memref_slice %arg6[%dma_wait3A_495] : memref<13312xi32, #tpu.memory_space<vmem>> -> memref<512xi32, #tpu.memory_space<vmem>>
    %dma_wait3A_497 = tpu.memref_slice %arg2[%dma_wait3A_490, %mul3A_2] : memref<26x16384xi32, #tpu.memory_space<hbm>> -> memref<1x512xi32, #tpu.memory_space<hbm>>
    %dma_wait3A_498 = tpu.memref_squeeze %dma_wait3A_497 : memref<1x512xi32, #tpu.memory_space<hbm>> -> memref<512xi32, #tpu.memory_space<hbm>>
    tpu.wait_dma2 semaphore(%arg15 : memref<!tpu.dma_semaphore, #tpu.memory_space<semaphore_mem>>) src(%dma_wait3A_498 : memref<512xi32, #tpu.memory_space<hbm>>) dst(%dma_wait3A_496 : memref<512xi32, #tpu.memory_space<vmem>>)
    %dma_wait3A_499 = arith.constant 18 : i32
    %dma_wait3A_500 = arith.constant 9216 : i32
    %dma_wait3A_501 = tpu.memref_slice %arg6[%dma_wait3A_500] : memref<13312xi32, #tpu.memory_space<vmem>> -> memref<512xi32, #tpu.memory_space<vmem>>
    %dma_wait3A_502 = tpu.memref_slice %arg2[%dma_wait3A_499, %mul3A_2] : memref<26x16384xi32, #tpu.memory_space<hbm>> -> memref<1x512xi32, #tpu.memory_space<hbm>>
    %dma_wait3A_503 = tpu.memref_squeeze %dma_wait3A_502 : memref<1x512xi32, #tpu.memory_space<hbm>> -> memref<512xi32, #tpu.memory_space<hbm>>
    %dma_wait3A_504 = arith.constant 9216 : i32
    %dma_wait3A_505 = tpu.memref_slice %arg6[%dma_wait3A_504] : memref<13312xi32, #tpu.memory_space<vmem>> -> memref<512xi32, #tpu.memory_space<vmem>>
    %dma_wait3A_506 = tpu.memref_slice %arg2[%dma_wait3A_499, %mul3A_2] : memref<26x16384xi32, #tpu.memory_space<hbm>> -> memref<1x512xi32, #tpu.memory_space<hbm>>
    %dma_wait3A_507 = tpu.memref_squeeze %dma_wait3A_506 : memref<1x512xi32, #tpu.memory_space<hbm>> -> memref<512xi32, #tpu.memory_space<hbm>>
    tpu.wait_dma2 semaphore(%arg15 : memref<!tpu.dma_semaphore, #tpu.memory_space<semaphore_mem>>) src(%dma_wait3A_507 : memref<512xi32, #tpu.memory_space<hbm>>) dst(%dma_wait3A_505 : memref<512xi32, #tpu.memory_space<vmem>>)
    %dma_wait3A_508 = arith.constant 19 : i32
    %dma_wait3A_509 = arith.constant 9728 : i32
    %dma_wait3A_510 = tpu.memref_slice %arg6[%dma_wait3A_509] : memref<13312xi32, #tpu.memory_space<vmem>> -> memref<512xi32, #tpu.memory_space<vmem>>
    %dma_wait3A_511 = tpu.memref_slice %arg2[%dma_wait3A_508, %mul3A_2] : memref<26x16384xi32, #tpu.memory_space<hbm>> -> memref<1x512xi32, #tpu.memory_space<hbm>>
    %dma_wait3A_512 = tpu.memref_squeeze %dma_wait3A_511 : memref<1x512xi32, #tpu.memory_space<hbm>> -> memref<512xi32, #tpu.memory_space<hbm>>
    %dma_wait3A_513 = arith.constant 9728 : i32
    %dma_wait3A_514 = tpu.memref_slice %arg6[%dma_wait3A_513] : memref<13312xi32, #tpu.memory_space<vmem>> -> memref<512xi32, #tpu.memory_space<vmem>>
    %dma_wait3A_515 = tpu.memref_slice %arg2[%dma_wait3A_508, %mul3A_2] : memref<26x16384xi32, #tpu.memory_space<hbm>> -> memref<1x512xi32, #tpu.memory_space<hbm>>
    %dma_wait3A_516 = tpu.memref_squeeze %dma_wait3A_515 : memref<1x512xi32, #tpu.memory_space<hbm>> -> memref<512xi32, #tpu.memory_space<hbm>>
    tpu.wait_dma2 semaphore(%arg15 : memref<!tpu.dma_semaphore, #tpu.memory_space<semaphore_mem>>) src(%dma_wait3A_516 : memref<512xi32, #tpu.memory_space<hbm>>) dst(%dma_wait3A_514 : memref<512xi32, #tpu.memory_space<vmem>>)
    %dma_start3A_517 = arith.constant 8704 : i32
    %dma_start3A_518 = tpu.memref_slice %arg7[%dma_start3A_517] : memref<13312xf32, #tpu.memory_space<vmem>> -> memref<512xf32, #tpu.memory_space<vmem>>
    %dma_start3A_519 = arith.constant 8704 : i32
    %dma_start3A_520 = tpu.memref_slice %arg6[%dma_start3A_519] : memref<13312xi32, #tpu.memory_space<vmem>> -> memref<512xi32, #tpu.memory_space<vmem>>
    %dma_start3A_521 = arith.constant 0 : i32
    %dma_start3A_522 = tpu.memref_slice %arg3[%dma_start3A_521] : memref<1000448xf32, #tpu.memory_space<hbm>> -> memref<1000448xf32, #tpu.memory_space<hbm>>
    tpu.enqueue_indirect_dma source(%dma_start3A_522 : memref<1000448xf32, #tpu.memory_space<hbm>>) target(%dma_start3A_518 : memref<512xf32, #tpu.memory_space<vmem>>) offsets(%dma_start3A_520 : memref<512xi32, #tpu.memory_space<vmem>>) semaphore(%arg23 : memref<!tpu.dma_semaphore, #tpu.memory_space<semaphore_mem>>)
    %dma_start3A_523 = arith.constant 9216 : i32
    %dma_start3A_524 = tpu.memref_slice %arg7[%dma_start3A_523] : memref<13312xf32, #tpu.memory_space<vmem>> -> memref<512xf32, #tpu.memory_space<vmem>>
    %dma_start3A_525 = arith.constant 9216 : i32
    %dma_start3A_526 = tpu.memref_slice %arg6[%dma_start3A_525] : memref<13312xi32, #tpu.memory_space<vmem>> -> memref<512xi32, #tpu.memory_space<vmem>>
    %dma_start3A_527 = arith.constant 0 : i32
    %dma_start3A_528 = tpu.memref_slice %arg3[%dma_start3A_527] : memref<1000448xf32, #tpu.memory_space<hbm>> -> memref<1000448xf32, #tpu.memory_space<hbm>>
    tpu.enqueue_indirect_dma source(%dma_start3A_528 : memref<1000448xf32, #tpu.memory_space<hbm>>) target(%dma_start3A_524 : memref<512xf32, #tpu.memory_space<vmem>>) offsets(%dma_start3A_526 : memref<512xi32, #tpu.memory_space<vmem>>) semaphore(%arg23 : memref<!tpu.dma_semaphore, #tpu.memory_space<semaphore_mem>>)
    %dma_start3A_529 = arith.constant 9728 : i32
    %dma_start3A_530 = tpu.memref_slice %arg7[%dma_start3A_529] : memref<13312xf32, #tpu.memory_space<vmem>> -> memref<512xf32, #tpu.memory_space<vmem>>
    %dma_start3A_531 = arith.constant 9728 : i32
    %dma_start3A_532 = tpu.memref_slice %arg6[%dma_start3A_531] : memref<13312xi32, #tpu.memory_space<vmem>> -> memref<512xi32, #tpu.memory_space<vmem>>
    %dma_start3A_533 = arith.constant 0 : i32
    %dma_start3A_534 = tpu.memref_slice %arg3[%dma_start3A_533] : memref<1000448xf32, #tpu.memory_space<hbm>> -> memref<1000448xf32, #tpu.memory_space<hbm>>
    tpu.enqueue_indirect_dma source(%dma_start3A_534 : memref<1000448xf32, #tpu.memory_space<hbm>>) target(%dma_start3A_530 : memref<512xf32, #tpu.memory_space<vmem>>) offsets(%dma_start3A_532 : memref<512xi32, #tpu.memory_space<vmem>>) semaphore(%arg23 : memref<!tpu.dma_semaphore, #tpu.memory_space<semaphore_mem>>)
    %dma_wait3A_535 = arith.constant 20 : i32
    %dma_wait3A_536 = arith.constant 10240 : i32
    %dma_wait3A_537 = tpu.memref_slice %arg6[%dma_wait3A_536] : memref<13312xi32, #tpu.memory_space<vmem>> -> memref<512xi32, #tpu.memory_space<vmem>>
    %dma_wait3A_538 = tpu.memref_slice %arg2[%dma_wait3A_535, %mul3A_2] : memref<26x16384xi32, #tpu.memory_space<hbm>> -> memref<1x512xi32, #tpu.memory_space<hbm>>
    %dma_wait3A_539 = tpu.memref_squeeze %dma_wait3A_538 : memref<1x512xi32, #tpu.memory_space<hbm>> -> memref<512xi32, #tpu.memory_space<hbm>>
    %dma_wait3A_540 = arith.constant 10240 : i32
    %dma_wait3A_541 = tpu.memref_slice %arg6[%dma_wait3A_540] : memref<13312xi32, #tpu.memory_space<vmem>> -> memref<512xi32, #tpu.memory_space<vmem>>
    %dma_wait3A_542 = tpu.memref_slice %arg2[%dma_wait3A_535, %mul3A_2] : memref<26x16384xi32, #tpu.memory_space<hbm>> -> memref<1x512xi32, #tpu.memory_space<hbm>>
    %dma_wait3A_543 = tpu.memref_squeeze %dma_wait3A_542 : memref<1x512xi32, #tpu.memory_space<hbm>> -> memref<512xi32, #tpu.memory_space<hbm>>
    tpu.wait_dma2 semaphore(%arg16 : memref<!tpu.dma_semaphore, #tpu.memory_space<semaphore_mem>>) src(%dma_wait3A_543 : memref<512xi32, #tpu.memory_space<hbm>>) dst(%dma_wait3A_541 : memref<512xi32, #tpu.memory_space<vmem>>)
    %dma_wait3A_544 = arith.constant 21 : i32
    %dma_wait3A_545 = arith.constant 10752 : i32
    %dma_wait3A_546 = tpu.memref_slice %arg6[%dma_wait3A_545] : memref<13312xi32, #tpu.memory_space<vmem>> -> memref<512xi32, #tpu.memory_space<vmem>>
    %dma_wait3A_547 = tpu.memref_slice %arg2[%dma_wait3A_544, %mul3A_2] : memref<26x16384xi32, #tpu.memory_space<hbm>> -> memref<1x512xi32, #tpu.memory_space<hbm>>
    %dma_wait3A_548 = tpu.memref_squeeze %dma_wait3A_547 : memref<1x512xi32, #tpu.memory_space<hbm>> -> memref<512xi32, #tpu.memory_space<hbm>>
    %dma_wait3A_549 = arith.constant 10752 : i32
    %dma_wait3A_550 = tpu.memref_slice %arg6[%dma_wait3A_549] : memref<13312xi32, #tpu.memory_space<vmem>> -> memref<512xi32, #tpu.memory_space<vmem>>
    %dma_wait3A_551 = tpu.memref_slice %arg2[%dma_wait3A_544, %mul3A_2] : memref<26x16384xi32, #tpu.memory_space<hbm>> -> memref<1x512xi32, #tpu.memory_space<hbm>>
    %dma_wait3A_552 = tpu.memref_squeeze %dma_wait3A_551 : memref<1x512xi32, #tpu.memory_space<hbm>> -> memref<512xi32, #tpu.memory_space<hbm>>
    tpu.wait_dma2 semaphore(%arg16 : memref<!tpu.dma_semaphore, #tpu.memory_space<semaphore_mem>>) src(%dma_wait3A_552 : memref<512xi32, #tpu.memory_space<hbm>>) dst(%dma_wait3A_550 : memref<512xi32, #tpu.memory_space<vmem>>)
    %dma_wait3A_553 = arith.constant 22 : i32
    %dma_wait3A_554 = arith.constant 11264 : i32
    %dma_wait3A_555 = tpu.memref_slice %arg6[%dma_wait3A_554] : memref<13312xi32, #tpu.memory_space<vmem>> -> memref<512xi32, #tpu.memory_space<vmem>>
    %dma_wait3A_556 = tpu.memref_slice %arg2[%dma_wait3A_553, %mul3A_2] : memref<26x16384xi32, #tpu.memory_space<hbm>> -> memref<1x512xi32, #tpu.memory_space<hbm>>
    %dma_wait3A_557 = tpu.memref_squeeze %dma_wait3A_556 : memref<1x512xi32, #tpu.memory_space<hbm>> -> memref<512xi32, #tpu.memory_space<hbm>>
    %dma_wait3A_558 = arith.constant 11264 : i32
    %dma_wait3A_559 = tpu.memref_slice %arg6[%dma_wait3A_558] : memref<13312xi32, #tpu.memory_space<vmem>> -> memref<512xi32, #tpu.memory_space<vmem>>
    %dma_wait3A_560 = tpu.memref_slice %arg2[%dma_wait3A_553, %mul3A_2] : memref<26x16384xi32, #tpu.memory_space<hbm>> -> memref<1x512xi32, #tpu.memory_space<hbm>>
    %dma_wait3A_561 = tpu.memref_squeeze %dma_wait3A_560 : memref<1x512xi32, #tpu.memory_space<hbm>> -> memref<512xi32, #tpu.memory_space<hbm>>
    tpu.wait_dma2 semaphore(%arg16 : memref<!tpu.dma_semaphore, #tpu.memory_space<semaphore_mem>>) src(%dma_wait3A_561 : memref<512xi32, #tpu.memory_space<hbm>>) dst(%dma_wait3A_559 : memref<512xi32, #tpu.memory_space<vmem>>)
    %dma_start3A_562 = arith.constant 10240 : i32
    %dma_start3A_563 = tpu.memref_slice %arg7[%dma_start3A_562] : memref<13312xf32, #tpu.memory_space<vmem>> -> memref<512xf32, #tpu.memory_space<vmem>>
    %dma_start3A_564 = arith.constant 10240 : i32
    %dma_start3A_565 = tpu.memref_slice %arg6[%dma_start3A_564] : memref<13312xi32, #tpu.memory_space<vmem>> -> memref<512xi32, #tpu.memory_space<vmem>>
    %dma_start3A_566 = arith.constant 0 : i32
    %dma_start3A_567 = tpu.memref_slice %arg3[%dma_start3A_566] : memref<1000448xf32, #tpu.memory_space<hbm>> -> memref<1000448xf32, #tpu.memory_space<hbm>>
    tpu.enqueue_indirect_dma source(%dma_start3A_567 : memref<1000448xf32, #tpu.memory_space<hbm>>) target(%dma_start3A_563 : memref<512xf32, #tpu.memory_space<vmem>>) offsets(%dma_start3A_565 : memref<512xi32, #tpu.memory_space<vmem>>) semaphore(%arg24 : memref<!tpu.dma_semaphore, #tpu.memory_space<semaphore_mem>>)
    %dma_start3A_568 = arith.constant 10752 : i32
    %dma_start3A_569 = tpu.memref_slice %arg7[%dma_start3A_568] : memref<13312xf32, #tpu.memory_space<vmem>> -> memref<512xf32, #tpu.memory_space<vmem>>
    %dma_start3A_570 = arith.constant 10752 : i32
    %dma_start3A_571 = tpu.memref_slice %arg6[%dma_start3A_570] : memref<13312xi32, #tpu.memory_space<vmem>> -> memref<512xi32, #tpu.memory_space<vmem>>
    %dma_start3A_572 = arith.constant 0 : i32
    %dma_start3A_573 = tpu.memref_slice %arg3[%dma_start3A_572] : memref<1000448xf32, #tpu.memory_space<hbm>> -> memref<1000448xf32, #tpu.memory_space<hbm>>
    tpu.enqueue_indirect_dma source(%dma_start3A_573 : memref<1000448xf32, #tpu.memory_space<hbm>>) target(%dma_start3A_569 : memref<512xf32, #tpu.memory_space<vmem>>) offsets(%dma_start3A_571 : memref<512xi32, #tpu.memory_space<vmem>>) semaphore(%arg24 : memref<!tpu.dma_semaphore, #tpu.memory_space<semaphore_mem>>)
    %dma_start3A_574 = arith.constant 11264 : i32
    %dma_start3A_575 = tpu.memref_slice %arg7[%dma_start3A_574] : memref<13312xf32, #tpu.memory_space<vmem>> -> memref<512xf32, #tpu.memory_space<vmem>>
    %dma_start3A_576 = arith.constant 11264 : i32
    %dma_start3A_577 = tpu.memref_slice %arg6[%dma_start3A_576] : memref<13312xi32, #tpu.memory_space<vmem>> -> memref<512xi32, #tpu.memory_space<vmem>>
    %dma_start3A_578 = arith.constant 0 : i32
    %dma_start3A_579 = tpu.memref_slice %arg3[%dma_start3A_578] : memref<1000448xf32, #tpu.memory_space<hbm>> -> memref<1000448xf32, #tpu.memory_space<hbm>>
    tpu.enqueue_indirect_dma source(%dma_start3A_579 : memref<1000448xf32, #tpu.memory_space<hbm>>) target(%dma_start3A_575 : memref<512xf32, #tpu.memory_space<vmem>>) offsets(%dma_start3A_577 : memref<512xi32, #tpu.memory_space<vmem>>) semaphore(%arg24 : memref<!tpu.dma_semaphore, #tpu.memory_space<semaphore_mem>>)
    %dma_wait3A_580 = arith.constant 23 : i32
    %dma_wait3A_581 = arith.constant 11776 : i32
    %dma_wait3A_582 = tpu.memref_slice %arg6[%dma_wait3A_581] : memref<13312xi32, #tpu.memory_space<vmem>> -> memref<512xi32, #tpu.memory_space<vmem>>
    %dma_wait3A_583 = tpu.memref_slice %arg2[%dma_wait3A_580, %mul3A_2] : memref<26x16384xi32, #tpu.memory_space<hbm>> -> memref<1x512xi32, #tpu.memory_space<hbm>>
    %dma_wait3A_584 = tpu.memref_squeeze %dma_wait3A_583 : memref<1x512xi32, #tpu.memory_space<hbm>> -> memref<512xi32, #tpu.memory_space<hbm>>
    %dma_wait3A_585 = arith.constant 11776 : i32
    %dma_wait3A_586 = tpu.memref_slice %arg6[%dma_wait3A_585] : memref<13312xi32, #tpu.memory_space<vmem>> -> memref<512xi32, #tpu.memory_space<vmem>>
    %dma_wait3A_587 = tpu.memref_slice %arg2[%dma_wait3A_580, %mul3A_2] : memref<26x16384xi32, #tpu.memory_space<hbm>> -> memref<1x512xi32, #tpu.memory_space<hbm>>
    %dma_wait3A_588 = tpu.memref_squeeze %dma_wait3A_587 : memref<1x512xi32, #tpu.memory_space<hbm>> -> memref<512xi32, #tpu.memory_space<hbm>>
    tpu.wait_dma2 semaphore(%arg17 : memref<!tpu.dma_semaphore, #tpu.memory_space<semaphore_mem>>) src(%dma_wait3A_588 : memref<512xi32, #tpu.memory_space<hbm>>) dst(%dma_wait3A_586 : memref<512xi32, #tpu.memory_space<vmem>>)
    %dma_wait3A_589 = arith.constant 24 : i32
    %dma_wait3A_590 = arith.constant 12288 : i32
    %dma_wait3A_591 = tpu.memref_slice %arg6[%dma_wait3A_590] : memref<13312xi32, #tpu.memory_space<vmem>> -> memref<512xi32, #tpu.memory_space<vmem>>
    %dma_wait3A_592 = tpu.memref_slice %arg2[%dma_wait3A_589, %mul3A_2] : memref<26x16384xi32, #tpu.memory_space<hbm>> -> memref<1x512xi32, #tpu.memory_space<hbm>>
    %dma_wait3A_593 = tpu.memref_squeeze %dma_wait3A_592 : memref<1x512xi32, #tpu.memory_space<hbm>> -> memref<512xi32, #tpu.memory_space<hbm>>
    %dma_wait3A_594 = arith.constant 12288 : i32
    %dma_wait3A_595 = tpu.memref_slice %arg6[%dma_wait3A_594] : memref<13312xi32, #tpu.memory_space<vmem>> -> memref<512xi32, #tpu.memory_space<vmem>>
    %dma_wait3A_596 = tpu.memref_slice %arg2[%dma_wait3A_589, %mul3A_2] : memref<26x16384xi32, #tpu.memory_space<hbm>> -> memref<1x512xi32, #tpu.memory_space<hbm>>
    %dma_wait3A_597 = tpu.memref_squeeze %dma_wait3A_596 : memref<1x512xi32, #tpu.memory_space<hbm>> -> memref<512xi32, #tpu.memory_space<hbm>>
    tpu.wait_dma2 semaphore(%arg17 : memref<!tpu.dma_semaphore, #tpu.memory_space<semaphore_mem>>) src(%dma_wait3A_597 : memref<512xi32, #tpu.memory_space<hbm>>) dst(%dma_wait3A_595 : memref<512xi32, #tpu.memory_space<vmem>>)
    %dma_wait3A_598 = arith.constant 25 : i32
    %dma_wait3A_599 = arith.constant 12800 : i32
    %dma_wait3A_600 = tpu.memref_slice %arg6[%dma_wait3A_599] : memref<13312xi32, #tpu.memory_space<vmem>> -> memref<512xi32, #tpu.memory_space<vmem>>
    %dma_wait3A_601 = tpu.memref_slice %arg2[%dma_wait3A_598, %mul3A_2] : memref<26x16384xi32, #tpu.memory_space<hbm>> -> memref<1x512xi32, #tpu.memory_space<hbm>>
    %dma_wait3A_602 = tpu.memref_squeeze %dma_wait3A_601 : memref<1x512xi32, #tpu.memory_space<hbm>> -> memref<512xi32, #tpu.memory_space<hbm>>
    %dma_wait3A_603 = arith.constant 12800 : i32
    %dma_wait3A_604 = tpu.memref_slice %arg6[%dma_wait3A_603] : memref<13312xi32, #tpu.memory_space<vmem>> -> memref<512xi32, #tpu.memory_space<vmem>>
    %dma_wait3A_605 = tpu.memref_slice %arg2[%dma_wait3A_598, %mul3A_2] : memref<26x16384xi32, #tpu.memory_space<hbm>> -> memref<1x512xi32, #tpu.memory_space<hbm>>
    %dma_wait3A_606 = tpu.memref_squeeze %dma_wait3A_605 : memref<1x512xi32, #tpu.memory_space<hbm>> -> memref<512xi32, #tpu.memory_space<hbm>>
    tpu.wait_dma2 semaphore(%arg17 : memref<!tpu.dma_semaphore, #tpu.memory_space<semaphore_mem>>) src(%dma_wait3A_606 : memref<512xi32, #tpu.memory_space<hbm>>) dst(%dma_wait3A_604 : memref<512xi32, #tpu.memory_space<vmem>>)
    %dma_start3A_607 = arith.constant 11776 : i32
    %dma_start3A_608 = tpu.memref_slice %arg7[%dma_start3A_607] : memref<13312xf32, #tpu.memory_space<vmem>> -> memref<512xf32, #tpu.memory_space<vmem>>
    %dma_start3A_609 = arith.constant 11776 : i32
    %dma_start3A_610 = tpu.memref_slice %arg6[%dma_start3A_609] : memref<13312xi32, #tpu.memory_space<vmem>> -> memref<512xi32, #tpu.memory_space<vmem>>
    %dma_start3A_611 = arith.constant 0 : i32
    %dma_start3A_612 = tpu.memref_slice %arg3[%dma_start3A_611] : memref<1000448xf32, #tpu.memory_space<hbm>> -> memref<1000448xf32, #tpu.memory_space<hbm>>
    tpu.enqueue_indirect_dma source(%dma_start3A_612 : memref<1000448xf32, #tpu.memory_space<hbm>>) target(%dma_start3A_608 : memref<512xf32, #tpu.memory_space<vmem>>) offsets(%dma_start3A_610 : memref<512xi32, #tpu.memory_space<vmem>>) semaphore(%arg25 : memref<!tpu.dma_semaphore, #tpu.memory_space<semaphore_mem>>)
    %dma_start3A_613 = arith.constant 12288 : i32
    %dma_start3A_614 = tpu.memref_slice %arg7[%dma_start3A_613] : memref<13312xf32, #tpu.memory_space<vmem>> -> memref<512xf32, #tpu.memory_space<vmem>>
    %dma_start3A_615 = arith.constant 12288 : i32
    %dma_start3A_616 = tpu.memref_slice %arg6[%dma_start3A_615] : memref<13312xi32, #tpu.memory_space<vmem>> -> memref<512xi32, #tpu.memory_space<vmem>>
    %dma_start3A_617 = arith.constant 0 : i32
    %dma_start3A_618 = tpu.memref_slice %arg3[%dma_start3A_617] : memref<1000448xf32, #tpu.memory_space<hbm>> -> memref<1000448xf32, #tpu.memory_space<hbm>>
    tpu.enqueue_indirect_dma source(%dma_start3A_618 : memref<1000448xf32, #tpu.memory_space<hbm>>) target(%dma_start3A_614 : memref<512xf32, #tpu.memory_space<vmem>>) offsets(%dma_start3A_616 : memref<512xi32, #tpu.memory_space<vmem>>) semaphore(%arg25 : memref<!tpu.dma_semaphore, #tpu.memory_space<semaphore_mem>>)
    %dma_start3A_619 = arith.constant 12800 : i32
    %dma_start3A_620 = tpu.memref_slice %arg7[%dma_start3A_619] : memref<13312xf32, #tpu.memory_space<vmem>> -> memref<512xf32, #tpu.memory_space<vmem>>
    %dma_start3A_621 = arith.constant 12800 : i32
    %dma_start3A_622 = tpu.memref_slice %arg6[%dma_start3A_621] : memref<13312xi32, #tpu.memory_space<vmem>> -> memref<512xi32, #tpu.memory_space<vmem>>
    %dma_start3A_623 = arith.constant 0 : i32
    %dma_start3A_624 = tpu.memref_slice %arg3[%dma_start3A_623] : memref<1000448xf32, #tpu.memory_space<hbm>> -> memref<1000448xf32, #tpu.memory_space<hbm>>
    tpu.enqueue_indirect_dma source(%dma_start3A_624 : memref<1000448xf32, #tpu.memory_space<hbm>>) target(%dma_start3A_620 : memref<512xf32, #tpu.memory_space<vmem>>) offsets(%dma_start3A_622 : memref<512xi32, #tpu.memory_space<vmem>>) semaphore(%arg25 : memref<!tpu.dma_semaphore, #tpu.memory_space<semaphore_mem>>)
    %get3A = arith.constant 0 : index
    %get3A_625 = tpu.vector_load %arg9[%get3A] {strides = array<i32>} : memref<16xf32, #tpu.memory_space<vmem>>, vector<16xf32>,
    %dma_wait3A_626 = arith.constant 0 : i32
    %dma_wait3A_627 = tpu.memref_slice %arg7[%dma_wait3A_626] : memref<13312xf32, #tpu.memory_space<vmem>> -> memref<512xf32, #tpu.memory_space<vmem>>
    %dma_wait3A_628 = arith.constant 0 : i32
    %dma_wait3A_629 = tpu.memref_slice %arg6[%dma_wait3A_628] : memref<13312xi32, #tpu.memory_space<vmem>> -> memref<512xi32, #tpu.memory_space<vmem>>
    %dma_wait3A_630 = arith.constant 0 : i32
    %dma_wait3A_631 = tpu.memref_slice %arg3[%dma_wait3A_630] : memref<1000448xf32, #tpu.memory_space<hbm>> -> memref<1000448xf32, #tpu.memory_space<hbm>>
    tpu.wait_indirect_dma semaphore(%arg18 : memref<!tpu.dma_semaphore, #tpu.memory_space<semaphore_mem>>) src(%dma_wait3A_631 : memref<1000448xf32, #tpu.memory_space<hbm>>) dst(%dma_wait3A_627 : memref<512xf32, #tpu.memory_space<vmem>>)
    %dma_wait3A_632 = arith.constant 512 : i32
    %dma_wait3A_633 = tpu.memref_slice %arg7[%dma_wait3A_632] : memref<13312xf32, #tpu.memory_space<vmem>> -> memref<512xf32, #tpu.memory_space<vmem>>
    %dma_wait3A_634 = arith.constant 512 : i32
    %dma_wait3A_635 = tpu.memref_slice %arg6[%dma_wait3A_634] : memref<13312xi32, #tpu.memory_space<vmem>> -> memref<512xi32, #tpu.memory_space<vmem>>
    %dma_wait3A_636 = arith.constant 0 : i32
    %dma_wait3A_637 = tpu.memref_slice %arg3[%dma_wait3A_636] : memref<1000448xf32, #tpu.memory_space<hbm>> -> memref<1000448xf32, #tpu.memory_space<hbm>>
    tpu.wait_indirect_dma semaphore(%arg18 : memref<!tpu.dma_semaphore, #tpu.memory_space<semaphore_mem>>) src(%dma_wait3A_637 : memref<1000448xf32, #tpu.memory_space<hbm>>) dst(%dma_wait3A_633 : memref<512xf32, #tpu.memory_space<vmem>>)
    %dma_wait3A_638 = arith.constant 1024 : i32
    %dma_wait3A_639 = tpu.memref_slice %arg7[%dma_wait3A_638] : memref<13312xf32, #tpu.memory_space<vmem>> -> memref<512xf32, #tpu.memory_space<vmem>>
    %dma_wait3A_640 = arith.constant 1024 : i32
    %dma_wait3A_641 = tpu.memref_slice %arg6[%dma_wait3A_640] : memref<13312xi32, #tpu.memory_space<vmem>> -> memref<512xi32, #tpu.memory_space<vmem>>
    %dma_wait3A_642 = arith.constant 0 : i32
    %dma_wait3A_643 = tpu.memref_slice %arg3[%dma_wait3A_642] : memref<1000448xf32, #tpu.memory_space<hbm>> -> memref<1000448xf32, #tpu.memory_space<hbm>>
    tpu.wait_indirect_dma semaphore(%arg18 : memref<!tpu.dma_semaphore, #tpu.memory_space<semaphore_mem>>) src(%dma_wait3A_643 : memref<1000448xf32, #tpu.memory_space<hbm>>) dst(%dma_wait3A_639 : memref<512xf32, #tpu.memory_space<vmem>>)
    %dma_wait3A_644 = arith.constant 1536 : i32
    %dma_wait3A_645 = tpu.memref_slice %arg7[%dma_wait3A_644] : memref<13312xf32, #tpu.memory_space<vmem>> -> memref<512xf32, #tpu.memory_space<vmem>>
    %dma_wait3A_646 = arith.constant 1536 : i32
    %dma_wait3A_647 = tpu.memref_slice %arg6[%dma_wait3A_646] : memref<13312xi32, #tpu.memory_space<vmem>> -> memref<512xi32, #tpu.memory_space<vmem>>
    %dma_wait3A_648 = arith.constant 0 : i32
    %dma_wait3A_649 = tpu.memref_slice %arg3[%dma_wait3A_648] : memref<1000448xf32, #tpu.memory_space<hbm>> -> memref<1000448xf32, #tpu.memory_space<hbm>>
    tpu.wait_indirect_dma semaphore(%arg18 : memref<!tpu.dma_semaphore, #tpu.memory_space<semaphore_mem>>) src(%dma_wait3A_649 : memref<1000448xf32, #tpu.memory_space<hbm>>) dst(%dma_wait3A_645 : memref<512xf32, #tpu.memory_space<vmem>>)
    %scan3A = arith.constant 0 : i32
    %scan3A_650 = arith.constant 0 : i32
    %scan3A_651 = arith.constant 32 : i32
    %scan3A_652 = arith.addi %scan3A_650, %scan3A_651 : i32
    %scan3A_653 = arith.constant 1 : i32
    %scan3A_654 = scf.for %scan3A_837 = %scan3A_650 to %scan3A_652 step %scan3A_653 iter_args(%scan3A_838 = %scan3A) -> (i32)  : i32 {
      %mul3A_839 = arith.constant 16 : i32
      %mul3A_840 = arith.muli %scan3A_837, %mul3A_839 : i32
      %add3A_841 = arith.constant 0 : i32
      %add3A_842 = arith.addi %add3A_841, %mul3A_840 : i32
      %get3A_843 = arith.index_cast %add3A_842 : i32 to index
      %get3A_844 = tpu.vector_load %arg7[%get3A_843] {strides = array<i32>} : memref<13312xf32, #tpu.memory_space<vmem>>, vector<16xf32>,
      %add3A_845 = arith.addf %get3A_625, %get3A_844 : vector<16xf32>
      %add3A_846 = arith.constant 512 : i32
      %add3A_847 = arith.addi %add3A_846, %mul3A_840 : i32
      %get3A_848 = arith.index_cast %add3A_847 : i32 to index
      %get3A_849 = tpu.vector_load %arg7[%get3A_848] {strides = array<i32>} : memref<13312xf32, #tpu.memory_space<vmem>>, vector<16xf32>,
      %add3A_850 = arith.addf %add3A_845, %get3A_849 : vector<16xf32>
      %add3A_851 = arith.constant 1024 : i32
      %add3A_852 = arith.addi %add3A_851, %mul3A_840 : i32
      %get3A_853 = arith.index_cast %add3A_852 : i32 to index
      %get3A_854 = tpu.vector_load %arg7[%get3A_853] {strides = array<i32>} : memref<13312xf32, #tpu.memory_space<vmem>>, vector<16xf32>,
      %add3A_855 = arith.addf %add3A_850, %get3A_854 : vector<16xf32>
      %add3A_856 = arith.constant 1536 : i32
      %add3A_857 = arith.addi %add3A_856, %mul3A_840 : i32
      %get3A_858 = arith.index_cast %add3A_857 : i32 to index
      %get3A_859 = tpu.vector_load %arg7[%get3A_858] {strides = array<i32>} : memref<13312xf32, #tpu.memory_space<vmem>>, vector<16xf32>,
      %add3A_860 = arith.addf %add3A_855, %get3A_859 : vector<16xf32>
      %swap3A = arith.index_cast %mul3A_840 : i32 to index
      %swap3A_861 = tpu.vector_load %arg8[%swap3A] {strides = array<i32>} : memref<512xf32, #tpu.memory_space<vmem>>, vector<16xf32>,
      tpu.vector_store %arg8[%swap3A], %add3A_860 {strides = array<i32>} : memref<512xf32, #tpu.memory_space<vmem>>, vector<16xf32>,
      %scan3A_862 = arith.constant 0 : i32
      scf.yield %scan3A_862 : i32
    }
    %scan3A_655 = arith.constant 32 : i32
    %dma_wait3A_656 = arith.constant 2048 : i32
    %dma_wait3A_657 = tpu.memref_slice %arg7[%dma_wait3A_656] : memref<13312xf32, #tpu.memory_space<vmem>> -> memref<512xf32, #tpu.memory_space<vmem>>
    %dma_wait3A_658 = arith.constant 2048 : i32
    %dma_wait3A_659 = tpu.memref_slice %arg6[%dma_wait3A_658] : memref<13312xi32, #tpu.memory_space<vmem>> -> memref<512xi32, #tpu.memory_space<vmem>>
    %dma_wait3A_660 = arith.constant 0 : i32
    %dma_wait3A_661 = tpu.memref_slice %arg3[%dma_wait3A_660] : memref<1000448xf32, #tpu.memory_space<hbm>> -> memref<1000448xf32, #tpu.memory_space<hbm>>
    tpu.wait_indirect_dma semaphore(%arg19 : memref<!tpu.dma_semaphore, #tpu.memory_space<semaphore_mem>>) src(%dma_wait3A_661 : memref<1000448xf32, #tpu.memory_space<hbm>>) dst(%dma_wait3A_657 : memref<512xf32, #tpu.memory_space<vmem>>)
    %dma_wait3A_662 = arith.constant 2560 : i32
    %dma_wait3A_663 = tpu.memref_slice %arg7[%dma_wait3A_662] : memref<13312xf32, #tpu.memory_space<vmem>> -> memref<512xf32, #tpu.memory_space<vmem>>
    %dma_wait3A_664 = arith.constant 2560 : i32
    %dma_wait3A_665 = tpu.memref_slice %arg6[%dma_wait3A_664] : memref<13312xi32, #tpu.memory_space<vmem>> -> memref<512xi32, #tpu.memory_space<vmem>>
    %dma_wait3A_666 = arith.constant 0 : i32
    %dma_wait3A_667 = tpu.memref_slice %arg3[%dma_wait3A_666] : memref<1000448xf32, #tpu.memory_space<hbm>> -> memref<1000448xf32, #tpu.memory_space<hbm>>
    tpu.wait_indirect_dma semaphore(%arg19 : memref<!tpu.dma_semaphore, #tpu.memory_space<semaphore_mem>>) src(%dma_wait3A_667 : memref<1000448xf32, #tpu.memory_space<hbm>>) dst(%dma_wait3A_663 : memref<512xf32, #tpu.memory_space<vmem>>)
    %dma_wait3A_668 = arith.constant 3072 : i32
    %dma_wait3A_669 = tpu.memref_slice %arg7[%dma_wait3A_668] : memref<13312xf32, #tpu.memory_space<vmem>> -> memref<512xf32, #tpu.memory_space<vmem>>
    %dma_wait3A_670 = arith.constant 3072 : i32
    %dma_wait3A_671 = tpu.memref_slice %arg6[%dma_wait3A_670] : memref<13312xi32, #tpu.memory_space<vmem>> -> memref<512xi32, #tpu.memory_space<vmem>>
    %dma_wait3A_672 = arith.constant 0 : i32
    %dma_wait3A_673 = tpu.memref_slice %arg3[%dma_wait3A_672] : memref<1000448xf32, #tpu.memory_space<hbm>> -> memref<1000448xf32, #tpu.memory_space<hbm>>
    tpu.wait_indirect_dma semaphore(%arg19 : memref<!tpu.dma_semaphore, #tpu.memory_space<semaphore_mem>>) src(%dma_wait3A_673 : memref<1000448xf32, #tpu.memory_space<hbm>>) dst(%dma_wait3A_669 : memref<512xf32, #tpu.memory_space<vmem>>)
    %dma_wait3A_674 = arith.constant 3584 : i32
    %dma_wait3A_675 = tpu.memref_slice %arg7[%dma_wait3A_674] : memref<13312xf32, #tpu.memory_space<vmem>> -> memref<512xf32, #tpu.memory_space<vmem>>
    %dma_wait3A_676 = arith.constant 3584 : i32
    %dma_wait3A_677 = tpu.memref_slice %arg6[%dma_wait3A_676] : memref<13312xi32, #tpu.memory_space<vmem>> -> memref<512xi32, #tpu.memory_space<vmem>>
    %dma_wait3A_678 = arith.constant 0 : i32
    %dma_wait3A_679 = tpu.memref_slice %arg3[%dma_wait3A_678] : memref<1000448xf32, #tpu.memory_space<hbm>> -> memref<1000448xf32, #tpu.memory_space<hbm>>
    tpu.wait_indirect_dma semaphore(%arg19 : memref<!tpu.dma_semaphore, #tpu.memory_space<semaphore_mem>>) src(%dma_wait3A_679 : memref<1000448xf32, #tpu.memory_space<hbm>>) dst(%dma_wait3A_675 : memref<512xf32, #tpu.memory_space<vmem>>)
    %scan3A_680 = arith.constant 0 : i32
    %scan3A_681 = arith.constant 0 : i32
    %scan3A_682 = arith.constant 32 : i32
    %scan3A_683 = arith.addi %scan3A_681, %scan3A_682 : i32
    %scan3A_684 = arith.constant 1 : i32
    %scan3A_685 = scf.for %scan3A_837 = %scan3A_681 to %scan3A_683 step %scan3A_684 iter_args(%scan3A_838 = %scan3A_680) -> (i32)  : i32 {
      %mul3A_839 = arith.constant 16 : i32
      %mul3A_840 = arith.muli %scan3A_837, %mul3A_839 : i32
      %get3A_841 = arith.index_cast %mul3A_840 : i32 to index
      %get3A_842 = tpu.vector_load %arg8[%get3A_841] {strides = array<i32>} : memref<512xf32, #tpu.memory_space<vmem>>, vector<16xf32>,
      %add3A_843 = arith.constant 2048 : i32
      %add3A_844 = arith.addi %add3A_843, %mul3A_840 : i32
      %get3A_845 = arith.index_cast %add3A_844 : i32 to index
      %get3A_846 = tpu.vector_load %arg7[%get3A_845] {strides = array<i32>} : memref<13312xf32, #tpu.memory_space<vmem>>, vector<16xf32>,
      %add3A_847 = arith.addf %get3A_842, %get3A_846 : vector<16xf32>
      %add3A_848 = arith.constant 2560 : i32
      %add3A_849 = arith.addi %add3A_848, %mul3A_840 : i32
      %get3A_850 = arith.index_cast %add3A_849 : i32 to index
      %get3A_851 = tpu.vector_load %arg7[%get3A_850] {strides = array<i32>} : memref<13312xf32, #tpu.memory_space<vmem>>, vector<16xf32>,
      %add3A_852 = arith.addf %add3A_847, %get3A_851 : vector<16xf32>
      %add3A_853 = arith.constant 3072 : i32
      %add3A_854 = arith.addi %add3A_853, %mul3A_840 : i32
      %get3A_855 = arith.index_cast %add3A_854 : i32 to index
      %get3A_856 = tpu.vector_load %arg7[%get3A_855] {strides = array<i32>} : memref<13312xf32, #tpu.memory_space<vmem>>, vector<16xf32>,
      %add3A_857 = arith.addf %add3A_852, %get3A_856 : vector<16xf32>
      %add3A_858 = arith.constant 3584 : i32
      %add3A_859 = arith.addi %add3A_858, %mul3A_840 : i32
      %get3A_860 = arith.index_cast %add3A_859 : i32 to index
      %get3A_861 = tpu.vector_load %arg7[%get3A_860] {strides = array<i32>} : memref<13312xf32, #tpu.memory_space<vmem>>, vector<16xf32>,
      %add3A_862 = arith.addf %add3A_857, %get3A_861 : vector<16xf32>
      %swap3A = arith.index_cast %mul3A_840 : i32 to index
      %swap3A_863 = tpu.vector_load %arg8[%swap3A] {strides = array<i32>} : memref<512xf32, #tpu.memory_space<vmem>>, vector<16xf32>,
      tpu.vector_store %arg8[%swap3A], %add3A_862 {strides = array<i32>} : memref<512xf32, #tpu.memory_space<vmem>>, vector<16xf32>,
      %scan3A_864 = arith.constant 0 : i32
      scf.yield %scan3A_864 : i32
    }
    %scan3A_686 = arith.constant 32 : i32
    %dma_wait3A_687 = arith.constant 4096 : i32
    %dma_wait3A_688 = tpu.memref_slice %arg7[%dma_wait3A_687] : memref<13312xf32, #tpu.memory_space<vmem>> -> memref<512xf32, #tpu.memory_space<vmem>>
    %dma_wait3A_689 = arith.constant 4096 : i32
    %dma_wait3A_690 = tpu.memref_slice %arg6[%dma_wait3A_689] : memref<13312xi32, #tpu.memory_space<vmem>> -> memref<512xi32, #tpu.memory_space<vmem>>
    %dma_wait3A_691 = arith.constant 0 : i32
    %dma_wait3A_692 = tpu.memref_slice %arg3[%dma_wait3A_691] : memref<1000448xf32, #tpu.memory_space<hbm>> -> memref<1000448xf32, #tpu.memory_space<hbm>>
    tpu.wait_indirect_dma semaphore(%arg20 : memref<!tpu.dma_semaphore, #tpu.memory_space<semaphore_mem>>) src(%dma_wait3A_692 : memref<1000448xf32, #tpu.memory_space<hbm>>) dst(%dma_wait3A_688 : memref<512xf32, #tpu.memory_space<vmem>>)
    %dma_wait3A_693 = arith.constant 4608 : i32
    %dma_wait3A_694 = tpu.memref_slice %arg7[%dma_wait3A_693] : memref<13312xf32, #tpu.memory_space<vmem>> -> memref<512xf32, #tpu.memory_space<vmem>>
    %dma_wait3A_695 = arith.constant 4608 : i32
    %dma_wait3A_696 = tpu.memref_slice %arg6[%dma_wait3A_695] : memref<13312xi32, #tpu.memory_space<vmem>> -> memref<512xi32, #tpu.memory_space<vmem>>
    %dma_wait3A_697 = arith.constant 0 : i32
    %dma_wait3A_698 = tpu.memref_slice %arg3[%dma_wait3A_697] : memref<1000448xf32, #tpu.memory_space<hbm>> -> memref<1000448xf32, #tpu.memory_space<hbm>>
    tpu.wait_indirect_dma semaphore(%arg20 : memref<!tpu.dma_semaphore, #tpu.memory_space<semaphore_mem>>) src(%dma_wait3A_698 : memref<1000448xf32, #tpu.memory_space<hbm>>) dst(%dma_wait3A_694 : memref<512xf32, #tpu.memory_space<vmem>>)
    %dma_wait3A_699 = arith.constant 5120 : i32
    %dma_wait3A_700 = tpu.memref_slice %arg7[%dma_wait3A_699] : memref<13312xf32, #tpu.memory_space<vmem>> -> memref<512xf32, #tpu.memory_space<vmem>>
    %dma_wait3A_701 = arith.constant 5120 : i32
    %dma_wait3A_702 = tpu.memref_slice %arg6[%dma_wait3A_701] : memref<13312xi32, #tpu.memory_space<vmem>> -> memref<512xi32, #tpu.memory_space<vmem>>
    %dma_wait3A_703 = arith.constant 0 : i32
    %dma_wait3A_704 = tpu.memref_slice %arg3[%dma_wait3A_703] : memref<1000448xf32, #tpu.memory_space<hbm>> -> memref<1000448xf32, #tpu.memory_space<hbm>>
    tpu.wait_indirect_dma semaphore(%arg20 : memref<!tpu.dma_semaphore, #tpu.memory_space<semaphore_mem>>) src(%dma_wait3A_704 : memref<1000448xf32, #tpu.memory_space<hbm>>) dst(%dma_wait3A_700 : memref<512xf32, #tpu.memory_space<vmem>>)
    %scan3A_705 = arith.constant 0 : i32
    %scan3A_706 = arith.constant 0 : i32
    %scan3A_707 = arith.constant 32 : i32
    %scan3A_708 = arith.addi %scan3A_706, %scan3A_707 : i32
    %scan3A_709 = arith.constant 1 : i32
    %scan3A_710 = scf.for %scan3A_837 = %scan3A_706 to %scan3A_708 step %scan3A_709 iter_args(%scan3A_838 = %scan3A_705) -> (i32)  : i32 {
      %mul3A_839 = arith.constant 16 : i32
      %mul3A_840 = arith.muli %scan3A_837, %mul3A_839 : i32
      %get3A_841 = arith.index_cast %mul3A_840 : i32 to index
      %get3A_842 = tpu.vector_load %arg8[%get3A_841] {strides = array<i32>} : memref<512xf32, #tpu.memory_space<vmem>>, vector<16xf32>,
      %add3A_843 = arith.constant 4096 : i32
      %add3A_844 = arith.addi %add3A_843, %mul3A_840 : i32
      %get3A_845 = arith.index_cast %add3A_844 : i32 to index
      %get3A_846 = tpu.vector_load %arg7[%get3A_845] {strides = array<i32>} : memref<13312xf32, #tpu.memory_space<vmem>>, vector<16xf32>,
      %add3A_847 = arith.addf %get3A_842, %get3A_846 : vector<16xf32>
      %add3A_848 = arith.constant 4608 : i32
      %add3A_849 = arith.addi %add3A_848, %mul3A_840 : i32
      %get3A_850 = arith.index_cast %add3A_849 : i32 to index
      %get3A_851 = tpu.vector_load %arg7[%get3A_850] {strides = array<i32>} : memref<13312xf32, #tpu.memory_space<vmem>>, vector<16xf32>,
      %add3A_852 = arith.addf %add3A_847, %get3A_851 : vector<16xf32>
      %add3A_853 = arith.constant 5120 : i32
      %add3A_854 = arith.addi %add3A_853, %mul3A_840 : i32
      %get3A_855 = arith.index_cast %add3A_854 : i32 to index
      %get3A_856 = tpu.vector_load %arg7[%get3A_855] {strides = array<i32>} : memref<13312xf32, #tpu.memory_space<vmem>>, vector<16xf32>,
      %add3A_857 = arith.addf %add3A_852, %get3A_856 : vector<16xf32>
      %swap3A = arith.index_cast %mul3A_840 : i32 to index
      %swap3A_858 = tpu.vector_load %arg8[%swap3A] {strides = array<i32>} : memref<512xf32, #tpu.memory_space<vmem>>, vector<16xf32>,
      tpu.vector_store %arg8[%swap3A], %add3A_857 {strides = array<i32>} : memref<512xf32, #tpu.memory_space<vmem>>, vector<16xf32>,
      %scan3A_859 = arith.constant 0 : i32
      scf.yield %scan3A_859 : i32
    }
    %scan3A_711 = arith.constant 32 : i32
    %dma_wait3A_712 = arith.constant 5632 : i32
    %dma_wait3A_713 = tpu.memref_slice %arg7[%dma_wait3A_712] : memref<13312xf32, #tpu.memory_space<vmem>> -> memref<512xf32, #tpu.memory_space<vmem>>
    %dma_wait3A_714 = arith.constant 5632 : i32
    %dma_wait3A_715 = tpu.memref_slice %arg6[%dma_wait3A_714] : memref<13312xi32, #tpu.memory_space<vmem>> -> memref<512xi32, #tpu.memory_space<vmem>>
    %dma_wait3A_716 = arith.constant 0 : i32
    %dma_wait3A_717 = tpu.memref_slice %arg3[%dma_wait3A_716] : memref<1000448xf32, #tpu.memory_space<hbm>> -> memref<1000448xf32, #tpu.memory_space<hbm>>
    tpu.wait_indirect_dma semaphore(%arg21 : memref<!tpu.dma_semaphore, #tpu.memory_space<semaphore_mem>>) src(%dma_wait3A_717 : memref<1000448xf32, #tpu.memory_space<hbm>>) dst(%dma_wait3A_713 : memref<512xf32, #tpu.memory_space<vmem>>)
    %dma_wait3A_718 = arith.constant 6144 : i32
    %dma_wait3A_719 = tpu.memref_slice %arg7[%dma_wait3A_718] : memref<13312xf32, #tpu.memory_space<vmem>> -> memref<512xf32, #tpu.memory_space<vmem>>
    %dma_wait3A_720 = arith.constant 6144 : i32
    %dma_wait3A_721 = tpu.memref_slice %arg6[%dma_wait3A_720] : memref<13312xi32, #tpu.memory_space<vmem>> -> memref<512xi32, #tpu.memory_space<vmem>>
    %dma_wait3A_722 = arith.constant 0 : i32
    %dma_wait3A_723 = tpu.memref_slice %arg3[%dma_wait3A_722] : memref<1000448xf32, #tpu.memory_space<hbm>> -> memref<1000448xf32, #tpu.memory_space<hbm>>
    tpu.wait_indirect_dma semaphore(%arg21 : memref<!tpu.dma_semaphore, #tpu.memory_space<semaphore_mem>>) src(%dma_wait3A_723 : memref<1000448xf32, #tpu.memory_space<hbm>>) dst(%dma_wait3A_719 : memref<512xf32, #tpu.memory_space<vmem>>)
    %dma_wait3A_724 = arith.constant 6656 : i32
    %dma_wait3A_725 = tpu.memref_slice %arg7[%dma_wait3A_724] : memref<13312xf32, #tpu.memory_space<vmem>> -> memref<512xf32, #tpu.memory_space<vmem>>
    %dma_wait3A_726 = arith.constant 6656 : i32
    %dma_wait3A_727 = tpu.memref_slice %arg6[%dma_wait3A_726] : memref<13312xi32, #tpu.memory_space<vmem>> -> memref<512xi32, #tpu.memory_space<vmem>>
    %dma_wait3A_728 = arith.constant 0 : i32
    %dma_wait3A_729 = tpu.memref_slice %arg3[%dma_wait3A_728] : memref<1000448xf32, #tpu.memory_space<hbm>> -> memref<1000448xf32, #tpu.memory_space<hbm>>
    tpu.wait_indirect_dma semaphore(%arg21 : memref<!tpu.dma_semaphore, #tpu.memory_space<semaphore_mem>>) src(%dma_wait3A_729 : memref<1000448xf32, #tpu.memory_space<hbm>>) dst(%dma_wait3A_725 : memref<512xf32, #tpu.memory_space<vmem>>)
    %scan3A_730 = arith.constant 0 : i32
    %scan3A_731 = arith.constant 0 : i32
    %scan3A_732 = arith.constant 32 : i32
    %scan3A_733 = arith.addi %scan3A_731, %scan3A_732 : i32
    %scan3A_734 = arith.constant 1 : i32
    %scan3A_735 = scf.for %scan3A_837 = %scan3A_731 to %scan3A_733 step %scan3A_734 iter_args(%scan3A_838 = %scan3A_730) -> (i32)  : i32 {
      %mul3A_839 = arith.constant 16 : i32
      %mul3A_840 = arith.muli %scan3A_837, %mul3A_839 : i32
      %get3A_841 = arith.index_cast %mul3A_840 : i32 to index
      %get3A_842 = tpu.vector_load %arg8[%get3A_841] {strides = array<i32>} : memref<512xf32, #tpu.memory_space<vmem>>, vector<16xf32>,
      %add3A_843 = arith.constant 5632 : i32
      %add3A_844 = arith.addi %add3A_843, %mul3A_840 : i32
      %get3A_845 = arith.index_cast %add3A_844 : i32 to index
      %get3A_846 = tpu.vector_load %arg7[%get3A_845] {strides = array<i32>} : memref<13312xf32, #tpu.memory_space<vmem>>, vector<16xf32>,
      %add3A_847 = arith.addf %get3A_842, %get3A_846 : vector<16xf32>
      %add3A_848 = arith.constant 6144 : i32
      %add3A_849 = arith.addi %add3A_848, %mul3A_840 : i32
      %get3A_850 = arith.index_cast %add3A_849 : i32 to index
      %get3A_851 = tpu.vector_load %arg7[%get3A_850] {strides = array<i32>} : memref<13312xf32, #tpu.memory_space<vmem>>, vector<16xf32>,
      %add3A_852 = arith.addf %add3A_847, %get3A_851 : vector<16xf32>
      %add3A_853 = arith.constant 6656 : i32
      %add3A_854 = arith.addi %add3A_853, %mul3A_840 : i32
      %get3A_855 = arith.index_cast %add3A_854 : i32 to index
      %get3A_856 = tpu.vector_load %arg7[%get3A_855] {strides = array<i32>} : memref<13312xf32, #tpu.memory_space<vmem>>, vector<16xf32>,
      %add3A_857 = arith.addf %add3A_852, %get3A_856 : vector<16xf32>
      %swap3A = arith.index_cast %mul3A_840 : i32 to index
      %swap3A_858 = tpu.vector_load %arg8[%swap3A] {strides = array<i32>} : memref<512xf32, #tpu.memory_space<vmem>>, vector<16xf32>,
      tpu.vector_store %arg8[%swap3A], %add3A_857 {strides = array<i32>} : memref<512xf32, #tpu.memory_space<vmem>>, vector<16xf32>,
      %scan3A_859 = arith.constant 0 : i32
      scf.yield %scan3A_859 : i32
    }
    %scan3A_736 = arith.constant 32 : i32
    %dma_wait3A_737 = arith.constant 7168 : i32
    %dma_wait3A_738 = tpu.memref_slice %arg7[%dma_wait3A_737] : memref<13312xf32, #tpu.memory_space<vmem>> -> memref<512xf32, #tpu.memory_space<vmem>>
    %dma_wait3A_739 = arith.constant 7168 : i32
    %dma_wait3A_740 = tpu.memref_slice %arg6[%dma_wait3A_739] : memref<13312xi32, #tpu.memory_space<vmem>> -> memref<512xi32, #tpu.memory_space<vmem>>
    %dma_wait3A_741 = arith.constant 0 : i32
    %dma_wait3A_742 = tpu.memref_slice %arg3[%dma_wait3A_741] : memref<1000448xf32, #tpu.memory_space<hbm>> -> memref<1000448xf32, #tpu.memory_space<hbm>>
    tpu.wait_indirect_dma semaphore(%arg22 : memref<!tpu.dma_semaphore, #tpu.memory_space<semaphore_mem>>) src(%dma_wait3A_742 : memref<1000448xf32, #tpu.memory_space<hbm>>) dst(%dma_wait3A_738 : memref<512xf32, #tpu.memory_space<vmem>>)
    %dma_wait3A_743 = arith.constant 7680 : i32
    %dma_wait3A_744 = tpu.memref_slice %arg7[%dma_wait3A_743] : memref<13312xf32, #tpu.memory_space<vmem>> -> memref<512xf32, #tpu.memory_space<vmem>>
    %dma_wait3A_745 = arith.constant 7680 : i32
    %dma_wait3A_746 = tpu.memref_slice %arg6[%dma_wait3A_745] : memref<13312xi32, #tpu.memory_space<vmem>> -> memref<512xi32, #tpu.memory_space<vmem>>
    %dma_wait3A_747 = arith.constant 0 : i32
    %dma_wait3A_748 = tpu.memref_slice %arg3[%dma_wait3A_747] : memref<1000448xf32, #tpu.memory_space<hbm>> -> memref<1000448xf32, #tpu.memory_space<hbm>>
    tpu.wait_indirect_dma semaphore(%arg22 : memref<!tpu.dma_semaphore, #tpu.memory_space<semaphore_mem>>) src(%dma_wait3A_748 : memref<1000448xf32, #tpu.memory_space<hbm>>) dst(%dma_wait3A_744 : memref<512xf32, #tpu.memory_space<vmem>>)
    %dma_wait3A_749 = arith.constant 8192 : i32
    %dma_wait3A_750 = tpu.memref_slice %arg7[%dma_wait3A_749] : memref<13312xf32, #tpu.memory_space<vmem>> -> memref<512xf32, #tpu.memory_space<vmem>>
    %dma_wait3A_751 = arith.constant 8192 : i32
    %dma_wait3A_752 = tpu.memref_slice %arg6[%dma_wait3A_751] : memref<13312xi32, #tpu.memory_space<vmem>> -> memref<512xi32, #tpu.memory_space<vmem>>
    %dma_wait3A_753 = arith.constant 0 : i32
    %dma_wait3A_754 = tpu.memref_slice %arg3[%dma_wait3A_753] : memref<1000448xf32, #tpu.memory_space<hbm>> -> memref<1000448xf32, #tpu.memory_space<hbm>>
    tpu.wait_indirect_dma semaphore(%arg22 : memref<!tpu.dma_semaphore, #tpu.memory_space<semaphore_mem>>) src(%dma_wait3A_754 : memref<1000448xf32, #tpu.memory_space<hbm>>) dst(%dma_wait3A_750 : memref<512xf32, #tpu.memory_space<vmem>>)
    %scan3A_755 = arith.constant 0 : i32
    %scan3A_756 = arith.constant 0 : i32
    %scan3A_757 = arith.constant 32 : i32
    %scan3A_758 = arith.addi %scan3A_756, %scan3A_757 : i32
    %scan3A_759 = arith.constant 1 : i32
    %scan3A_760 = scf.for %scan3A_837 = %scan3A_756 to %scan3A_758 step %scan3A_759 iter_args(%scan3A_838 = %scan3A_755) -> (i32)  : i32 {
      %mul3A_839 = arith.constant 16 : i32
      %mul3A_840 = arith.muli %scan3A_837, %mul3A_839 : i32
      %get3A_841 = arith.index_cast %mul3A_840 : i32 to index
      %get3A_842 = tpu.vector_load %arg8[%get3A_841] {strides = array<i32>} : memref<512xf32, #tpu.memory_space<vmem>>, vector<16xf32>,
      %add3A_843 = arith.constant 7168 : i32
      %add3A_844 = arith.addi %add3A_843, %mul3A_840 : i32
      %get3A_845 = arith.index_cast %add3A_844 : i32 to index
      %get3A_846 = tpu.vector_load %arg7[%get3A_845] {strides = array<i32>} : memref<13312xf32, #tpu.memory_space<vmem>>, vector<16xf32>,
      %add3A_847 = arith.addf %get3A_842, %get3A_846 : vector<16xf32>
      %add3A_848 = arith.constant 7680 : i32
      %add3A_849 = arith.addi %add3A_848, %mul3A_840 : i32
      %get3A_850 = arith.index_cast %add3A_849 : i32 to index
      %get3A_851 = tpu.vector_load %arg7[%get3A_850] {strides = array<i32>} : memref<13312xf32, #tpu.memory_space<vmem>>, vector<16xf32>,
      %add3A_852 = arith.addf %add3A_847, %get3A_851 : vector<16xf32>
      %add3A_853 = arith.constant 8192 : i32
      %add3A_854 = arith.addi %add3A_853, %mul3A_840 : i32
      %get3A_855 = arith.index_cast %add3A_854 : i32 to index
      %get3A_856 = tpu.vector_load %arg7[%get3A_855] {strides = array<i32>} : memref<13312xf32, #tpu.memory_space<vmem>>, vector<16xf32>,
      %add3A_857 = arith.addf %add3A_852, %get3A_856 : vector<16xf32>
      %swap3A = arith.index_cast %mul3A_840 : i32 to index
      %swap3A_858 = tpu.vector_load %arg8[%swap3A] {strides = array<i32>} : memref<512xf32, #tpu.memory_space<vmem>>, vector<16xf32>,
      tpu.vector_store %arg8[%swap3A], %add3A_857 {strides = array<i32>} : memref<512xf32, #tpu.memory_space<vmem>>, vector<16xf32>,
      %scan3A_859 = arith.constant 0 : i32
      scf.yield %scan3A_859 : i32
    }
    %scan3A_761 = arith.constant 32 : i32
    %dma_wait3A_762 = arith.constant 8704 : i32
    %dma_wait3A_763 = tpu.memref_slice %arg7[%dma_wait3A_762] : memref<13312xf32, #tpu.memory_space<vmem>> -> memref<512xf32, #tpu.memory_space<vmem>>
    %dma_wait3A_764 = arith.constant 8704 : i32
    %dma_wait3A_765 = tpu.memref_slice %arg6[%dma_wait3A_764] : memref<13312xi32, #tpu.memory_space<vmem>> -> memref<512xi32, #tpu.memory_space<vmem>>
    %dma_wait3A_766 = arith.constant 0 : i32
    %dma_wait3A_767 = tpu.memref_slice %arg3[%dma_wait3A_766] : memref<1000448xf32, #tpu.memory_space<hbm>> -> memref<1000448xf32, #tpu.memory_space<hbm>>
    tpu.wait_indirect_dma semaphore(%arg23 : memref<!tpu.dma_semaphore, #tpu.memory_space<semaphore_mem>>) src(%dma_wait3A_767 : memref<1000448xf32, #tpu.memory_space<hbm>>) dst(%dma_wait3A_763 : memref<512xf32, #tpu.memory_space<vmem>>)
    %dma_wait3A_768 = arith.constant 9216 : i32
    %dma_wait3A_769 = tpu.memref_slice %arg7[%dma_wait3A_768] : memref<13312xf32, #tpu.memory_space<vmem>> -> memref<512xf32, #tpu.memory_space<vmem>>
    %dma_wait3A_770 = arith.constant 9216 : i32
    %dma_wait3A_771 = tpu.memref_slice %arg6[%dma_wait3A_770] : memref<13312xi32, #tpu.memory_space<vmem>> -> memref<512xi32, #tpu.memory_space<vmem>>
    %dma_wait3A_772 = arith.constant 0 : i32
    %dma_wait3A_773 = tpu.memref_slice %arg3[%dma_wait3A_772] : memref<1000448xf32, #tpu.memory_space<hbm>> -> memref<1000448xf32, #tpu.memory_space<hbm>>
    tpu.wait_indirect_dma semaphore(%arg23 : memref<!tpu.dma_semaphore, #tpu.memory_space<semaphore_mem>>) src(%dma_wait3A_773 : memref<1000448xf32, #tpu.memory_space<hbm>>) dst(%dma_wait3A_769 : memref<512xf32, #tpu.memory_space<vmem>>)
    %dma_wait3A_774 = arith.constant 9728 : i32
    %dma_wait3A_775 = tpu.memref_slice %arg7[%dma_wait3A_774] : memref<13312xf32, #tpu.memory_space<vmem>> -> memref<512xf32, #tpu.memory_space<vmem>>
    %dma_wait3A_776 = arith.constant 9728 : i32
    %dma_wait3A_777 = tpu.memref_slice %arg6[%dma_wait3A_776] : memref<13312xi32, #tpu.memory_space<vmem>> -> memref<512xi32, #tpu.memory_space<vmem>>
    %dma_wait3A_778 = arith.constant 0 : i32
    %dma_wait3A_779 = tpu.memref_slice %arg3[%dma_wait3A_778] : memref<1000448xf32, #tpu.memory_space<hbm>> -> memref<1000448xf32, #tpu.memory_space<hbm>>
    tpu.wait_indirect_dma semaphore(%arg23 : memref<!tpu.dma_semaphore, #tpu.memory_space<semaphore_mem>>) src(%dma_wait3A_779 : memref<1000448xf32, #tpu.memory_space<hbm>>) dst(%dma_wait3A_775 : memref<512xf32, #tpu.memory_space<vmem>>)
    %scan3A_780 = arith.constant 0 : i32
    %scan3A_781 = arith.constant 0 : i32
    %scan3A_782 = arith.constant 32 : i32
    %scan3A_783 = arith.addi %scan3A_781, %scan3A_782 : i32
    %scan3A_784 = arith.constant 1 : i32
    %scan3A_785 = scf.for %scan3A_837 = %scan3A_781 to %scan3A_783 step %scan3A_784 iter_args(%scan3A_838 = %scan3A_780) -> (i32)  : i32 {
      %mul3A_839 = arith.constant 16 : i32
      %mul3A_840 = arith.muli %scan3A_837, %mul3A_839 : i32
      %get3A_841 = arith.index_cast %mul3A_840 : i32 to index
      %get3A_842 = tpu.vector_load %arg8[%get3A_841] {strides = array<i32>} : memref<512xf32, #tpu.memory_space<vmem>>, vector<16xf32>,
      %add3A_843 = arith.constant 8704 : i32
      %add3A_844 = arith.addi %add3A_843, %mul3A_840 : i32
      %get3A_845 = arith.index_cast %add3A_844 : i32 to index
      %get3A_846 = tpu.vector_load %arg7[%get3A_845] {strides = array<i32>} : memref<13312xf32, #tpu.memory_space<vmem>>, vector<16xf32>,
      %add3A_847 = arith.addf %get3A_842, %get3A_846 : vector<16xf32>
      %add3A_848 = arith.constant 9216 : i32
      %add3A_849 = arith.addi %add3A_848, %mul3A_840 : i32
      %get3A_850 = arith.index_cast %add3A_849 : i32 to index
      %get3A_851 = tpu.vector_load %arg7[%get3A_850] {strides = array<i32>} : memref<13312xf32, #tpu.memory_space<vmem>>, vector<16xf32>,
      %add3A_852 = arith.addf %add3A_847, %get3A_851 : vector<16xf32>
      %add3A_853 = arith.constant 9728 : i32
      %add3A_854 = arith.addi %add3A_853, %mul3A_840 : i32
      %get3A_855 = arith.index_cast %add3A_854 : i32 to index
      %get3A_856 = tpu.vector_load %arg7[%get3A_855] {strides = array<i32>} : memref<13312xf32, #tpu.memory_space<vmem>>, vector<16xf32>,
      %add3A_857 = arith.addf %add3A_852, %get3A_856 : vector<16xf32>
      %swap3A = arith.index_cast %mul3A_840 : i32 to index
      %swap3A_858 = tpu.vector_load %arg8[%swap3A] {strides = array<i32>} : memref<512xf32, #tpu.memory_space<vmem>>, vector<16xf32>,
      tpu.vector_store %arg8[%swap3A], %add3A_857 {strides = array<i32>} : memref<512xf32, #tpu.memory_space<vmem>>, vector<16xf32>,
      %scan3A_859 = arith.constant 0 : i32
      scf.yield %scan3A_859 : i32
    }
    %scan3A_786 = arith.constant 32 : i32
    %dma_wait3A_787 = arith.constant 10240 : i32
    %dma_wait3A_788 = tpu.memref_slice %arg7[%dma_wait3A_787] : memref<13312xf32, #tpu.memory_space<vmem>> -> memref<512xf32, #tpu.memory_space<vmem>>
    %dma_wait3A_789 = arith.constant 10240 : i32
    %dma_wait3A_790 = tpu.memref_slice %arg6[%dma_wait3A_789] : memref<13312xi32, #tpu.memory_space<vmem>> -> memref<512xi32, #tpu.memory_space<vmem>>
    %dma_wait3A_791 = arith.constant 0 : i32
    %dma_wait3A_792 = tpu.memref_slice %arg3[%dma_wait3A_791] : memref<1000448xf32, #tpu.memory_space<hbm>> -> memref<1000448xf32, #tpu.memory_space<hbm>>
    tpu.wait_indirect_dma semaphore(%arg24 : memref<!tpu.dma_semaphore, #tpu.memory_space<semaphore_mem>>) src(%dma_wait3A_792 : memref<1000448xf32, #tpu.memory_space<hbm>>) dst(%dma_wait3A_788 : memref<512xf32, #tpu.memory_space<vmem>>)
    %dma_wait3A_793 = arith.constant 10752 : i32
    %dma_wait3A_794 = tpu.memref_slice %arg7[%dma_wait3A_793] : memref<13312xf32, #tpu.memory_space<vmem>> -> memref<512xf32, #tpu.memory_space<vmem>>
    %dma_wait3A_795 = arith.constant 10752 : i32
    %dma_wait3A_796 = tpu.memref_slice %arg6[%dma_wait3A_795] : memref<13312xi32, #tpu.memory_space<vmem>> -> memref<512xi32, #tpu.memory_space<vmem>>
    %dma_wait3A_797 = arith.constant 0 : i32
    %dma_wait3A_798 = tpu.memref_slice %arg3[%dma_wait3A_797] : memref<1000448xf32, #tpu.memory_space<hbm>> -> memref<1000448xf32, #tpu.memory_space<hbm>>
    tpu.wait_indirect_dma semaphore(%arg24 : memref<!tpu.dma_semaphore, #tpu.memory_space<semaphore_mem>>) src(%dma_wait3A_798 : memref<1000448xf32, #tpu.memory_space<hbm>>) dst(%dma_wait3A_794 : memref<512xf32, #tpu.memory_space<vmem>>)
    %dma_wait3A_799 = arith.constant 11264 : i32
    %dma_wait3A_800 = tpu.memref_slice %arg7[%dma_wait3A_799] : memref<13312xf32, #tpu.memory_space<vmem>> -> memref<512xf32, #tpu.memory_space<vmem>>
    %dma_wait3A_801 = arith.constant 11264 : i32
    %dma_wait3A_802 = tpu.memref_slice %arg6[%dma_wait3A_801] : memref<13312xi32, #tpu.memory_space<vmem>> -> memref<512xi32, #tpu.memory_space<vmem>>
    %dma_wait3A_803 = arith.constant 0 : i32
    %dma_wait3A_804 = tpu.memref_slice %arg3[%dma_wait3A_803] : memref<1000448xf32, #tpu.memory_space<hbm>> -> memref<1000448xf32, #tpu.memory_space<hbm>>
    tpu.wait_indirect_dma semaphore(%arg24 : memref<!tpu.dma_semaphore, #tpu.memory_space<semaphore_mem>>) src(%dma_wait3A_804 : memref<1000448xf32, #tpu.memory_space<hbm>>) dst(%dma_wait3A_800 : memref<512xf32, #tpu.memory_space<vmem>>)
    %scan3A_805 = arith.constant 0 : i32
    %scan3A_806 = arith.constant 0 : i32
    %scan3A_807 = arith.constant 32 : i32
    %scan3A_808 = arith.addi %scan3A_806, %scan3A_807 : i32
    %scan3A_809 = arith.constant 1 : i32
    %scan3A_810 = scf.for %scan3A_837 = %scan3A_806 to %scan3A_808 step %scan3A_809 iter_args(%scan3A_838 = %scan3A_805) -> (i32)  : i32 {
      %mul3A_839 = arith.constant 16 : i32
      %mul3A_840 = arith.muli %scan3A_837, %mul3A_839 : i32
      %get3A_841 = arith.index_cast %mul3A_840 : i32 to index
      %get3A_842 = tpu.vector_load %arg8[%get3A_841] {strides = array<i32>} : memref<512xf32, #tpu.memory_space<vmem>>, vector<16xf32>,
      %add3A_843 = arith.constant 10240 : i32
      %add3A_844 = arith.addi %add3A_843, %mul3A_840 : i32
      %get3A_845 = arith.index_cast %add3A_844 : i32 to index
      %get3A_846 = tpu.vector_load %arg7[%get3A_845] {strides = array<i32>} : memref<13312xf32, #tpu.memory_space<vmem>>, vector<16xf32>,
      %add3A_847 = arith.addf %get3A_842, %get3A_846 : vector<16xf32>
      %add3A_848 = arith.constant 10752 : i32
      %add3A_849 = arith.addi %add3A_848, %mul3A_840 : i32
      %get3A_850 = arith.index_cast %add3A_849 : i32 to index
      %get3A_851 = tpu.vector_load %arg7[%get3A_850] {strides = array<i32>} : memref<13312xf32, #tpu.memory_space<vmem>>, vector<16xf32>,
      %add3A_852 = arith.addf %add3A_847, %get3A_851 : vector<16xf32>
      %add3A_853 = arith.constant 11264 : i32
      %add3A_854 = arith.addi %add3A_853, %mul3A_840 : i32
      %get3A_855 = arith.index_cast %add3A_854 : i32 to index
      %get3A_856 = tpu.vector_load %arg7[%get3A_855] {strides = array<i32>} : memref<13312xf32, #tpu.memory_space<vmem>>, vector<16xf32>,
      %add3A_857 = arith.addf %add3A_852, %get3A_856 : vector<16xf32>
      %swap3A = arith.index_cast %mul3A_840 : i32 to index
      %swap3A_858 = tpu.vector_load %arg8[%swap3A] {strides = array<i32>} : memref<512xf32, #tpu.memory_space<vmem>>, vector<16xf32>,
      tpu.vector_store %arg8[%swap3A], %add3A_857 {strides = array<i32>} : memref<512xf32, #tpu.memory_space<vmem>>, vector<16xf32>,
      %scan3A_859 = arith.constant 0 : i32
      scf.yield %scan3A_859 : i32
    }
    %scan3A_811 = arith.constant 32 : i32
    %dma_wait3A_812 = arith.constant 11776 : i32
    %dma_wait3A_813 = tpu.memref_slice %arg7[%dma_wait3A_812] : memref<13312xf32, #tpu.memory_space<vmem>> -> memref<512xf32, #tpu.memory_space<vmem>>
    %dma_wait3A_814 = arith.constant 11776 : i32
    %dma_wait3A_815 = tpu.memref_slice %arg6[%dma_wait3A_814] : memref<13312xi32, #tpu.memory_space<vmem>> -> memref<512xi32, #tpu.memory_space<vmem>>
    %dma_wait3A_816 = arith.constant 0 : i32
    %dma_wait3A_817 = tpu.memref_slice %arg3[%dma_wait3A_816] : memref<1000448xf32, #tpu.memory_space<hbm>> -> memref<1000448xf32, #tpu.memory_space<hbm>>
    tpu.wait_indirect_dma semaphore(%arg25 : memref<!tpu.dma_semaphore, #tpu.memory_space<semaphore_mem>>) src(%dma_wait3A_817 : memref<1000448xf32, #tpu.memory_space<hbm>>) dst(%dma_wait3A_813 : memref<512xf32, #tpu.memory_space<vmem>>)
    %dma_wait3A_818 = arith.constant 12288 : i32
    %dma_wait3A_819 = tpu.memref_slice %arg7[%dma_wait3A_818] : memref<13312xf32, #tpu.memory_space<vmem>> -> memref<512xf32, #tpu.memory_space<vmem>>
    %dma_wait3A_820 = arith.constant 12288 : i32
    %dma_wait3A_821 = tpu.memref_slice %arg6[%dma_wait3A_820] : memref<13312xi32, #tpu.memory_space<vmem>> -> memref<512xi32, #tpu.memory_space<vmem>>
    %dma_wait3A_822 = arith.constant 0 : i32
    %dma_wait3A_823 = tpu.memref_slice %arg3[%dma_wait3A_822] : memref<1000448xf32, #tpu.memory_space<hbm>> -> memref<1000448xf32, #tpu.memory_space<hbm>>
    tpu.wait_indirect_dma semaphore(%arg25 : memref<!tpu.dma_semaphore, #tpu.memory_space<semaphore_mem>>) src(%dma_wait3A_823 : memref<1000448xf32, #tpu.memory_space<hbm>>) dst(%dma_wait3A_819 : memref<512xf32, #tpu.memory_space<vmem>>)
    %dma_wait3A_824 = arith.constant 12800 : i32
    %dma_wait3A_825 = tpu.memref_slice %arg7[%dma_wait3A_824] : memref<13312xf32, #tpu.memory_space<vmem>> -> memref<512xf32, #tpu.memory_space<vmem>>
    %dma_wait3A_826 = arith.constant 12800 : i32
    %dma_wait3A_827 = tpu.memref_slice %arg6[%dma_wait3A_826] : memref<13312xi32, #tpu.memory_space<vmem>> -> memref<512xi32, #tpu.memory_space<vmem>>
    %dma_wait3A_828 = arith.constant 0 : i32
    %dma_wait3A_829 = tpu.memref_slice %arg3[%dma_wait3A_828] : memref<1000448xf32, #tpu.memory_space<hbm>> -> memref<1000448xf32, #tpu.memory_space<hbm>>
    tpu.wait_indirect_dma semaphore(%arg25 : memref<!tpu.dma_semaphore, #tpu.memory_space<semaphore_mem>>) src(%dma_wait3A_829 : memref<1000448xf32, #tpu.memory_space<hbm>>) dst(%dma_wait3A_825 : memref<512xf32, #tpu.memory_space<vmem>>)
    %scan3A_830 = arith.constant 0 : i32
    %scan3A_831 = arith.constant 0 : i32
    %scan3A_832 = arith.constant 32 : i32
    %scan3A_833 = arith.addi %scan3A_831, %scan3A_832 : i32
    %scan3A_834 = arith.constant 1 : i32
    %scan3A_835 = scf.for %scan3A_837 = %scan3A_831 to %scan3A_833 step %scan3A_834 iter_args(%scan3A_838 = %scan3A_830) -> (i32)  : i32 {
      %mul3A_839 = arith.constant 16 : i32
      %mul3A_840 = arith.muli %scan3A_837, %mul3A_839 : i32
      %get3A_841 = arith.index_cast %mul3A_840 : i32 to index
      %get3A_842 = tpu.vector_load %arg8[%get3A_841] {strides = array<i32>} : memref<512xf32, #tpu.memory_space<vmem>>, vector<16xf32>,
      %add3A_843 = arith.constant 11776 : i32
      %add3A_844 = arith.addi %add3A_843, %mul3A_840 : i32
      %get3A_845 = arith.index_cast %add3A_844 : i32 to index
      %get3A_846 = tpu.vector_load %arg7[%get3A_845] {strides = array<i32>} : memref<13312xf32, #tpu.memory_space<vmem>>, vector<16xf32>,
      %add3A_847 = arith.addf %get3A_842, %get3A_846 : vector<16xf32>
      %add3A_848 = arith.constant 12288 : i32
      %add3A_849 = arith.addi %add3A_848, %mul3A_840 : i32
      %get3A_850 = arith.index_cast %add3A_849 : i32 to index
      %get3A_851 = tpu.vector_load %arg7[%get3A_850] {strides = array<i32>} : memref<13312xf32, #tpu.memory_space<vmem>>, vector<16xf32>,
      %add3A_852 = arith.addf %add3A_847, %get3A_851 : vector<16xf32>
      %add3A_853 = arith.constant 12800 : i32
      %add3A_854 = arith.addi %add3A_853, %mul3A_840 : i32
      %get3A_855 = arith.index_cast %add3A_854 : i32 to index
      %get3A_856 = tpu.vector_load %arg7[%get3A_855] {strides = array<i32>} : memref<13312xf32, #tpu.memory_space<vmem>>, vector<16xf32>,
      %add3A_857 = arith.addf %add3A_852, %get3A_856 : vector<16xf32>
      %swap3A = arith.index_cast %mul3A_840 : i32 to index
      %swap3A_858 = tpu.vector_load %arg8[%swap3A] {strides = array<i32>} : memref<512xf32, #tpu.memory_space<vmem>>, vector<16xf32>,
      tpu.vector_store %arg8[%swap3A], %add3A_857 {strides = array<i32>} : memref<512xf32, #tpu.memory_space<vmem>>, vector<16xf32>,
      %scan3A_859 = arith.constant 0 : i32
      scf.yield %scan3A_859 : i32
    }
    %scan3A_836 = arith.constant 32 : i32
    "tpu.region"() ({
      %run_scoped3A = tpu.sem_alloc : memref<!tpu.dma_semaphore, #tpu.memory_space<semaphore_mem>>
      %dma_start3A_837 = tpu.memref_slice %arg5[%mul3A_2] : memref<16384xf32, #tpu.memory_space<hbm>> -> memref<512xf32, #tpu.memory_space<hbm>>
      %dma_start3A_838 = tpu.memref_slice %arg5[%mul3A_2] : memref<16384xf32, #tpu.memory_space<hbm>> -> memref<512xf32, #tpu.memory_space<hbm>>
      tpu.enqueue_dma source(%arg8 : memref<512xf32, #tpu.memory_space<vmem>>) target(%dma_start3A_838 : memref<512xf32, #tpu.memory_space<hbm>>) target_semaphore(%run_scoped3A : memref<!tpu.dma_semaphore, #tpu.memory_space<semaphore_mem>>)
      %dma_wait3A_839 = tpu.memref_slice %arg5[%mul3A_2] : memref<16384xf32, #tpu.memory_space<hbm>> -> memref<512xf32, #tpu.memory_space<hbm>>
      %dma_wait3A_840 = tpu.memref_slice %arg5[%mul3A_2] : memref<16384xf32, #tpu.memory_space<hbm>> -> memref<512xf32, #tpu.memory_space<hbm>>
      tpu.wait_dma2 semaphore(%run_scoped3A : memref<!tpu.dma_semaphore, #tpu.memory_space<semaphore_mem>>) src(%arg8 : memref<512xf32, #tpu.memory_space<vmem>>) dst(%dma_wait3A_840 : memref<512xf32, #tpu.memory_space<hbm>>)
      tpu.yield
    }) : () -> ()
    return
  }
}

</mosaic_0001>

<sc_bundles>
// kernel: _lr.3.cloned.1.call-start
scs
__scs_entry_jumppad:
0x0: {  	(pc) =	sbr.rel $0x88, $3  }
0x1: {  	(tag) =	ssettag $0x0;
	lr =	simm.s32 $0x1  }
0x2: {  	[smem:$0x3F9E] =	sst lr;
	_ =	strace $0xD0000000  }
0x3: {  	_ = 	snop  }
0x4: {  	_ = 	snop  }
0x5: {  	_ = 	snop  }
0x6: {  	_ = 	snop  }
0x7: {  	_ = 	snop  }
__scs_overlays_trampoline_lowered:
0x8: {  	[smem:$0x3FAD] =	sst s0  }
0x9: {  	[smem:$0x3FAE] =	sst s1  }
0xa: {  	[smem:$0x3FAF] =	sst s2  }
0xb: {  	[smem:$0x3FB0] =	sst s3  }
0xc: {  	[smem:$0x3FB1] =	sst s4  }
0xd: {  	[smem:$0x3FB2] =	sst s5  }
0xe: {  	[smem:$0x3FB3] =	sst s6  }
0xf: {  	[smem:$0x3FB4] =	sst s7  }
0x10: {  	[smem:$0x3FB5] =	sst s8  }
0x11: {  	[smem:$0x3FB6] =	sst s9;
	s0 =	simm.s32 @!p0 $0x0  }
0x12: {  	s1 =	sld [smem:$0x3F9C];
	s0 =	simm.s32 @p0 $0x1  }
0x13: {  	[smem:$0x3FB7] =	sst s0;
	s0 =	simm.s32 @!p1 $0x0  }
0x14: {  	s2 =	sld [smem:$0x3F9B];
	s0 =	simm.s32 @p1 $0x1  }
0x15: {  	[smem:$0x3FB8] =	sst s0;
	s0 =	simm.s32 @!p2 $0x0  }
0x16: {  	s3 =	sld [smem:$0x3FDB];
	s0 =	simm.s32 @p2 $0x1  }
0x17: {  	s4 =	simm.s32 $0x1BF5;
	[smem:$0x3FBA] =	sst s0  }
0x18: {  	s0 =	sld [smem:$0x3F9D];
	_ =	swait.ge [sflag:s4], $0x0  }
0x19: {  	s7 =	sld [smem:$0x3F9E]  }
0x1a: {  	s8 =	sadd.s32 $0xFFFFE003, lr  }
0x1b: {  	s9 =	sadd.s32 $0xFFFFFEF7, lr;
	s5 =	simm.s32 $0xFFFFFFFF;
	p2 =	slt.u32 s8, $0xFFFFF086  }
0x1c: {  	p1 =	slt.u32 s9, $0xF7A;
	s5 =	simm.s32 @!p2 $0x0  }
0x1d: {  	s5 =	simm.s32 @p1 $0x1;
	p0 =	seq.s32 s7, s2  }
0x1e: {  	s7 =	smul.u32 @!p0 $0xF7A, s2;
	p2 =	seq.s32 @!p0 s5, $0x0  }
0x1f: {  	s9 =	smul.u32 $0xF7A, s1;
	s8 =	simm.s32 @!p0 $0x1BF5;
	p2 =	por !p2, p0  }
0x20: {  	[sflag:s8] =	ssyncset.s32 @!p0 $0xFFFFF086;
	s6 =	sadd.s32 @!p0 s3, s7;
	s7 =	simm.s32 @!p0 $0x108  }
0x21: {  	s3 =	sadd.s32 s3, s9;
	s6 =	sadd.s32 @!p0 $0x88, s6;
	s7 =	simm.s32 @p2 $0x1082  }
0x22: {  	[simem:s7], [sflag:s8] =	dma.local @!p0 [hbm:s6], $0xF7A  }
0x23: {  	s9 =	sor.u32 $0xD0000000, s2;
	s6 =	simm.s32 $0x108;
	_ =	swait.ge @!p0 [sflag:s8], $0x0  }
0x24: {  	s3 =	sadd.s32 $0x88, s3;
	s6 =	simm.s32 @!p1 $0x1082;
	[sflag:s4] =	ssyncset.s32 $0xFFFFF086  }
0x25: {  	[simem:s6], [sflag:s4] =	dma.local [hbm:s3], $0xF7A  }
0x26: {  	[smem:$0x3F9E] =	sst s1;
	(tag) =	ssettag s2;
	_ =	strace s9  }
0x27: {  	s1 =	sld [smem:$0x3FAE]  }
0x28: {  	s2 =	sld [smem:$0x3FAF]  }
0x29: {  	s4 =	sld [smem:$0x3FB1]  }
0x2a: {  	p0 =	seq.s32 s5, $0x0;
	s5 =	sld [smem:$0x3FB2]  }
0x2b: {  	s6 =	sld [smem:$0x3FB3]  }
0x2c: {  	s7 =	sld [smem:$0x3FB4]  }
0x2d: {  	s3 =	simm.s32 $0x108;
	s8 =	sld [smem:$0x3FB5]  }
0x2e: {  	s3 =	simm.s32 @!p0 $0x1082;
	s9 =	sld [smem:$0x3FB6]  }
0x2f: {  	lr =	sadd.s32 s0, s3;
	s0 =	sld [smem:$0x3FAD]  }
0x30: {  	s3 =	sld [smem:$0x3FB0]  }
0x31: {  	[smem:$0x3FB9] =	sst s10  }
0x32: {  	s10 =	sld [smem:$0x3FB7];
	_ =	sdelay $0x3  }
0x33: {  	p0 =	seq.s32 s10, $0x1;
	s10 =	sld [smem:$0x3FB9];
	_ =	sdelay $0x3  }
0x34: {  	[smem:$0x3FB9] =	sst s10  }
0x35: {  	s10 =	sld [smem:$0x3FB8];
	_ =	sdelay $0x3  }
0x36: {  	p1 =	seq.s32 s10, $0x1;
	s10 =	sld [smem:$0x3FB9];
	_ =	sdelay $0x3  }
0x37: {  	[smem:$0x3FB9] =	sst s10  }
0x38: {  	s10 =	sld [smem:$0x3FBA]  }
0x39: {  	_ = 	snop;
	(pc) =	sbr.ind lr, $3  }
0x3a: {  	_ = 	snop  }
0x3b: {  	_ = 	snop  }
0x3c: {  	p2 =	seq.s32 s10, $0x1;
	s10 =	sld [smem:$0x3FB9]  }
0x3d: {  	_ =	shalt  }
0x3e: {  	_ =	shalt  }
0x3f: {  	_ =	shalt  }
0x40: {  	_ =	shalt  }
0x41: {  	_ =	shalt  }
0x42: {  	_ =	shalt  }
0x43: {  	_ =	shalt  }
0x44: {  	_ =	shalt  }
0x45: {  	_ =	shalt  }
0x46: {  	_ =	shalt  }
0x47: {  	_ =	shalt  }
0x48: {  	_ =	shalt  }
0x49: {  	_ =	shalt  }
0x4a: {  	_ =	shalt  }
0x4b: {  	_ =	shalt  }
0x4c: {  	_ =	shalt  }
0x4d: {  	_ =	shalt  }
0x4e: {  	_ =	shalt  }
0x4f: {  	_ =	shalt  }
0x50: {  	_ =	shalt  }
0x51: {  	_ =	shalt  }
0x52: {  	_ =	shalt  }
0x53: {  	_ =	shalt  }
0x54: {  	_ =	shalt  }
0x55: {  	_ =	shalt  }
0x56: {  	_ =	shalt  }
0x57: {  	_ =	shalt  }
0x58: {  	_ =	shalt  }
0x59: {  	_ =	shalt  }
0x5a: {  	_ =	shalt  }
0x5b: {  	_ =	shalt  }
0x5c: {  	_ =	shalt  }
0x5d: {  	_ =	shalt  }
0x5e: {  	_ =	shalt  }
0x5f: {  	_ =	shalt  }
0x60: {  	_ =	shalt  }
0x61: {  	_ =	shalt  }
0x62: {  	_ =	shalt  }
0x63: {  	_ =	shalt  }
0x64: {  	_ =	shalt  }
0x65: {  	_ =	shalt  }
0x66: {  	_ =	shalt  }
0x67: {  	_ =	shalt  }
0x68: {  	_ =	shalt  }
0x69: {  	_ =	shalt  }
0x6a: {  	_ =	shalt  }
0x6b: {  	_ =	shalt  }
0x6c: {  	_ =	shalt  }
0x6d: {  	_ =	shalt  }
0x6e: {  	_ =	shalt  }
0x6f: {  	_ =	shalt  }
0x70: {  	_ =	shalt  }
0x71: {  	_ =	shalt  }
0x72: {  	_ =	shalt  }
0x73: {  	_ =	shalt  }
0x74: {  	_ =	shalt  }
0x75: {  	_ =	shalt  }
0x76: {  	_ =	shalt  }
0x77: {  	_ =	shalt  }
0x78: {  	_ =	shalt  }
0x79: {  	_ =	shalt  }
0x7a: {  	_ =	shalt  }
0x7b: {  	_ =	shalt  }
0x7c: {  	_ =	shalt  }
0x7d: {  	_ =	shalt  }
0x7e: {  	_ =	shalt  }
0x7f: {  	_ =	shalt  }
0x80: {  	_ =	shalt  }
0x81: {  	_ =	shalt  }
0x82: {  	_ =	shalt  }
0x83: {  	_ =	shalt  }
0x84: {  	_ =	shalt  }
0x85: {  	_ =	shalt  }
0x86: {  	_ =	shalt  }
0x87: {  	_ =	shalt  }
.Lfunc_end0:
.L_simem_size_0:
called_computation_lowered:
.L_overlay_start_0:
0x88: {  	s2 =	sld [smem:$0x3FD9]  }
0x89: {  	s3 =	sld [smem:$0x3FFE];
	_ =	sdelay $0x1  }
0x8a: {  	s1 =	srdreg.scid  }
0x8b: {  	s0 =	sand.u32 $0x1, s1  }
0x8c: {  	s18 =	sshll.u32 s0, $0xA;
	s2 =	sadd.s32 s3, s2  }
0x8d: {  	s2 =	sadd.s32 s2, s18  }
0x8e: {  	[smem:$0x3FC5] =	sst s2  }
0x8f: {  	_ = 	snop  }
0x90: {  	s2 =	sld [smem:$0x3FC9]  }
0x91: {  	s19 =	sld [smem:$0x3FC8]  }
0x92: {  	s4 =	sld [smem:$0x3FC7]  }
0x93: {  	s5 =	sld [smem:$0x3FD0];
	(tm) =	ssettm $0x1  }
0x94: {  	s6 =	sld [smem:$0x3FFB];
	_ =	sdelay $0x3  }
0x95: {  	_ =	strace s6  }
0x96: {  	s6 =	sld [smem:$0x3FFC];
	_ =	sdelay $0x3  }
0x97: {  	_ =	strace s6  }
0x98: {  	s6 =	sld [smem:$0x3FFD];
	_ =	sdelay $0x3  }
0x99: {  	_ =	strace s6  }
0x9a: {  	_ =	strace $0x8FFFFFFF  }
0x9b: {  	s20 =	sld [smem:$0x3FDB];
	_ =	sdelay $0x1  }
0x9c: {  	s7 =	simm.s32 $_scs_section_size  }
0x9d: {  	s8 =	simm.s32 $_size__tile_overlayer_lowered;
	s9 =	simm.s32 $_tile_overlayer_lowered  }
0x9e: {  	s23 =	simm.s32 $0x1BFF;
	s22 =	sshll.u32 s9, $0x1;
	s6 =	sadd.s32 s7, s20  }
0x9f: {  	s10 =	simm.s32 $0x0;
	s21 =	sshll.u32 s8, $0x1;
	s8 =	sadd.s32 s22, s6  }
0xa0: {  	[timem:s10], [sflag:s23] =	dma.local [hbm:s8], s21  }
0xa1: {  	_ =	swait.ge [sflag:s23], s21  }
0xa2: {  	s7 =	ssub.s32 $0x0, s21;
	[sflag:s23] =	ssyncset.done $0x0  }
0xa3: {  	[sflag:s23] =	ssyncadd.s32 s7;
	_ =	sdelay $0x1  }
0xa4: {  	s24 =	simm.s32 $0x1B8B  }
0xa5: {  	_ =	swait.ge [sflag:s24], $0x1  }
0xa6: {  	[sflag:s24] =	ssyncset.done $0x0  }
0xa7: {  	s25 =	simm.s32 $0x1B8E;
	[sflag:s24] =	ssyncadd.s32 $0xFFFFFFFF  }
0xa8: {  	s26 =	simm.s32 $execute0_lowered;
	[smem:$0x3FD2] =	sst s25  }
0xa9: {  	s7 =	sshll.u32 s26, $0x1;
	_ =	strace $0x80000046;
	[dreg:$0x1] =	wrdreg $0xFFFFFFFF  }
0xaa: {  	s28 =	simm.s32 $_size_execute0_lowered;
	s6 =	sadd.s32 s6, s7;
	[dreg:$0x0] =	wrdreg $0x0  }
0xab: {  	s7 =	sshll.u32 s28, $0x1;
	[dreg:$0x2] =	wrdreg s6  }
0xac: {  	[dreg:$0x3] =	wrdreg s7  }
0xad: {  	[dreg:$0x4] =	wrdreg $0xC0  }
0xae: {  	_ =	task [dreg:s10], $0x5FFFF  }
0xaf: {  	[dreg:$0x1] =	wrdreg $0xFFFFFFFF  }
0xb0: {  	[dreg:$0x0] =	wrdreg $0x60  }
0xb1: {  	[dreg:$0x2] =	wrdreg s2  }
0xb2: {  	[dreg:$0x3] =	wrdreg s19  }
0xb3: {  	[dreg:$0x4] =	wrdreg s4  }
0xb4: {  	[dreg:$0x5] =	wrdreg s5  }
0xb5: {  	[dreg:$0x6] =	wrdreg $0x9  }
0xb6: {  	_ =	task.clear_ibuf [dreg:s10], $0x7FFFF;
	_ =	strace $0x90000046  }
0xb7: {  	s29 =	simm.s32 $0x9;
	_ =	strace $0x80000048  }
0xb8: {  	_ =	swait.ge [sflag:s29], $0x1  }
0xb9: {  	[sflag:s29] =	ssyncadd.s32 $0xFFFFFFFF  }
0xba: {  	_ =	strace $0x90000048  }
0xbb: {  	_ =	sfence  }
0xbc: {  	s30 =	sld [smem:$0x0];
	_ =	sdelay $0x2  }
0xbd: {  	s31 =	sshll.u32 s1, $0xD;
	s1 =	sshrl.u32 s1, $0x2  }
0xbe: {  	s3 =	sand.u32 $0x4000, s31;
	s1 =	sadd.s32 s1, s30  }
0xbf: {  	s0 =	sor.u32 s3, s0;
	s1 =	sshll.u32 s1, $0x11  }
0xc0: {  	s0 =	sor.u32 s1, s0  }
0xc1: {  	s0 =	sadd.s32 $0x8F2B, s0  }
0xc2: {  	[sflag:s0] =	ssyncadd.remote.s32 $0x1  }
0xc3: {  	_ =	sfence.sel $0xFFFF  }
0xc4: {  	[dreg:$0x0] =	wrdreg $0xFFFFFFFF;
	(pc) =	sbr.abs _section_cstart, $3  }
0xc5: {  	[dreg:$0x1] =	wrdreg $0xFFFFFFFF  }
0xc6: {  	_ =	task.clear_ibuf [dreg:s10], $0x2FFFF;
	_ =	strace $0x9FFFFFFF  }
0xc7: {  	(tm) =	ssettm $0x7FFFFFFF  }
tec
execute0_lowered:
.L_overlay_start_1:
0x0: {  	(tag) =	ssettag $0x1  }
0x1: {  	s0 =	rddreg [dreg:$0x0]  }
0x2: {  	s1 =	rddreg [dreg:$0x1];
	s3 =	srdreg.scid  }
0x3: {  	s2 =	rddreg [dreg:$0x3];
	s6 =	stileid.u32;
	s3 =	sand.u32 $0x1, s3  }
0x4: {  	s6 =	sshll.u32 s6, $0xA;
	s5 =	ssub.s32 $0x2, s3;
	s3 =	sshll.u32 s3, $0x9  }
0x5: {  	s4 =	simm.s32 $0x0;
	s7 =	sshrl.u32 s5, $0x1;
	s3 =	sor.u32 s3, s6  }
0x6: {  	[smem:$0x7FF] =	sst s4;
	s24 =	ssub.s32 s5, s7;
	s5 =	sadd.s32 s0, s3  }
0x7: {  	_ =	strace $0x80000047;
	s0 =	sadd.s32 $0x10, s5;
	[smem:$0x7FD] =	sst s5  }
0x8: {  	s25 =	sadd.s32 $0x20, s5;
	[dreg:$0x5] =	wrdreg s0  }
0x9: {  	s26 =	sadd.s32 $0x30, s5;
	[dreg:$0x6] =	wrdreg s25  }
0xa: {  	s28 =	sadd.s32 $0x40, s5;
	[dreg:$0x7] =	wrdreg s26  }
0xb: {  	s29 =	sadd.s32 $0x50, s5;
	[dreg:$0x8] =	wrdreg s28  }
0xc: {  	s7 =	sadd.s32 $0x60, s5;
	[dreg:$0x9] =	wrdreg s29  }
0xd: {  	s8 =	sadd.s32 $0x70, s5;
	[dreg:$0xa] =	wrdreg s7  }
0xe: {  	s9 =	sadd.s32 $0x4000, s5;
	[dreg:$0xb] =	wrdreg s8  }
0xf: {  	s10 =	sadd.s32 $0x4010, s5;
	[dreg:$0xc] =	wrdreg s9  }
0x10: {  	s11 =	sadd.s32 $0x4020, s5;
	[dreg:$0xd] =	wrdreg s10  }
0x11: {  	s12 =	sadd.s32 $0x4030, s5;
	[dreg:$0xe] =	wrdreg s11  }
0x12: {  	s13 =	sadd.s32 $0x4040, s5;
	[dreg:$0xf] =	wrdreg s12  }
0x13: {  	s14 =	sadd.s32 $0x4050, s5;
	[dreg:$0x10] =	wrdreg s13  }
0x14: {  	s15 =	sadd.s32 $0x4060, s5;
	[dreg:$0x11] =	wrdreg s14  }
0x15: {  	s16 =	sadd.s32 $0x4070, s5;
	[dreg:$0x12] =	wrdreg s15  }
0x16: {  	s17 =	sadd.s32 $0x8000, s5;
	[dreg:$0x13] =	wrdreg s16  }
0x17: {  	s18 =	sadd.s32 $0x8010, s5;
	[dreg:$0x14] =	wrdreg s17  }
0x18: {  	s20 =	sadd.s32 $0x8020, s5;
	[dreg:$0x15] =	wrdreg s18  }
0x19: {  	s21 =	smax.u32 s24, $0x1;
	[dreg:$0x17] =	wrdreg s20  }
0x1a: {  	s30 =	simm.s32 $0xC00;
	s22 =	sadd.s32 $0x8030, s5;
	[dreg:$0x18] =	wrdreg s21  }
0x1b: {  	s31 =	simm.s32 $0x2E00;
	s23 =	sadd.s32 $0x8040, s5;
	[dreg:$0x19] =	wrdreg s22  }
0x1c: {  	s19 =	sshrl.u32 s3, $0x3;
	s24 =	sadd.s32 $0x8050, s5;
	[dreg:$0x1a] =	wrdreg s23  }
0x1d: {  	s6 =	simm.s32 $0x80;
	s0 =	sadd.s32 s2, s19;
	[dreg:$0x1b] =	wrdreg s24  }
0x1e: {  	s25 =	sadd.s32 $0x8060, s5;
	s26 =	sadd.s32 $0x8070, s5;
	s28 =	sadd.s32 $0xC000, s5  }
0x1f: {  	s29 =	sadd.s32 $0xC010, s5;
	s2 =	simm.s32 $0x11;
	s7 =	simm.s32 $0x400  }
0x20: {  	s8 =	simm.s32 $0x200;
	s24 =	simm.s32 $0xE00;
	s12 =	simm.s32 $0x1400  }
0x21: {  	s13 =	simm.s32 $0x1800;
	s14 =	simm.s32 $0x1C00;
	s15 =	simm.s32 $0x1E00  }
0x22: {  	s18 =	simm.s32 $0x2000;
	s19 =	simm.s32 $0x2200;
	[dreg:$0x16] =	wrdreg s0  }
0x23: {  	s20 =	simm.s32 $0x2400;
	s21 =	simm.s32 $0x2600;
	[dreg:$0x1c] =	wrdreg s25  }
0x24: {  	s22 =	simm.s32 $0x2800;
	s23 =	simm.s32 $0x2A00;
	[dreg:$0x1d] =	wrdreg s26  }
0x25: {  	s11 =	simm.s32 $0x2C00;
	s16 =	simm.s32 $0x3000;
	[dreg:$0x1e] =	wrdreg s28  }
0x26: {  	s17 =	simm.s32 $0x3200;
	[dreg:$0x1f] =	wrdreg s29;
	s25 =	simm.s32 $0x0  }
.LBB2_1:
0x27: {  	s9 =	rddreg [dreg:$0x2];
	s10 =	simm.s32 $0x6A00  }
0x28: {  	[tilespmem:s10], [sflag:$0x11] =	stream.linear.gather [hbm4b:s9+s4], $0x80, $0x38;
	[tilespmem:$0x6A80] =	vst v63  }
0x29: {  	_ =	swait.ge [sflag:s2], $0x80  }
0x2a: {  	s5 =	sld [smem:$0x7FD]  }
0x2b: {  	[sflag:s2] =	ssyncset.done $0x0  }
0x2c: {  	[sflag:s2] =	ssyncadd.s32 $0xFFFFFF80  }
0x2d: {  	[tilespmem:s4], [sflag:$0x1] =	stream.strided.gather [hbm4b:s5+s6], $0x200, s7, s6, $0x38;
	[tilespmem:$0x6A80] =	vst v63  }
0x2e: {  	s10 =	rddreg [dreg:$0x5]  }
0x2f: {  	[tilespmem:s8], [sflag:$0x1] =	stream.strided.gather [hbm4b:s10+s6], $0x200, s7, s6, $0x38;
	[tilespmem:$0x6A80] =	vst v63  }
0x30: {  	s26 =	rddreg [dreg:$0x6]  }
0x31: {  	[tilespmem:s7], [sflag:$0x1] =	stream.strided.gather [hbm4b:s26+s6], $0x200, s7, s6, $0x38;
	[tilespmem:$0x6A80] =	vst v63  }
0x32: {  	s0 =	rddreg [dreg:$0x7];
	s10 =	simm.s32 $0x600  }
0x33: {  	[tilespmem:s10], [sflag:$0x1] =	stream.strided.gather [hbm4b:s0+s6], $0x200, s7, s6, $0x38;
	[tilespmem:$0x6A80] =	vst v63  }
0x34: {  	s28 =	simm.s32 $0x800;
	s2 =	rddreg [dreg:$0x8]  }
0x35: {  	[tilespmem:s28], [sflag:$0x2] =	stream.strided.gather [hbm4b:s2+s6], $0x200, s7, s6, $0x38;
	[tilespmem:$0x6A80] =	vst v63  }
0x36: {  	s29 =	simm.s32 $0xA00;
	s3 =	rddreg [dreg:$0x9]  }
0x37: {  	[tilespmem:s29], [sflag:$0x2] =	stream.strided.gather [hbm4b:s3+s6], $0x200, s7, s6, $0x38;
	[tilespmem:$0x6A80] =	vst v63  }
0x38: {  	s4 =	rddreg [dreg:$0xa]  }
0x39: {  	[tilespmem:s30], [sflag:$0x2] =	stream.strided.gather [hbm4b:s4+s6], $0x200, s7, s6, $0x38;
	[tilespmem:$0x6A80] =	vst v63  }
0x3a: {  	s5 =	rddreg [dreg:$0xb]  }
0x3b: {  	[tilespmem:s24], [sflag:$0x2] =	stream.strided.gather [hbm4b:s5+s6], $0x200, s7, s6, $0x38;
	[tilespmem:$0x6A80] =	vst v63  }
0x3c: {  	s26 =	rddreg [dreg:$0xc];
	s5 =	simm.s32 $0x1000  }
0x3d: {  	[tilespmem:s5], [sflag:$0x3] =	stream.strided.gather [hbm4b:s26+s6], $0x200, s7, s6, $0x38;
	[tilespmem:$0x6A80] =	vst v63  }
0x3e: {  	s0 =	rddreg [dreg:$0xd];
	s4 =	simm.s32 $0x1200  }
0x3f: {  	[tilespmem:s4], [sflag:$0x3] =	stream.strided.gather [hbm4b:s0+s6], $0x200, s7, s6, $0x38;
	[tilespmem:$0x6A80] =	vst v63  }
0x40: {  	s3 =	rddreg [dreg:$0xe]  }
0x41: {  	[tilespmem:s12], [sflag:$0x3] =	stream.strided.gather [hbm4b:s3+s6], $0x200, s7, s6, $0x38;
	[tilespmem:$0x6A80] =	vst v63  }
0x42: {  	s26 =	rddreg [dreg:$0xf];
	s0 =	simm.s32 $0x1600  }
0x43: {  	[tilespmem:s0], [sflag:$0x4] =	stream.strided.gather [hbm4b:s26+s6], $0x200, s7, s6, $0x38;
	[tilespmem:$0x6A80] =	vst v63  }
0x44: {  	s3 =	rddreg [dreg:$0x10]  }
0x45: {  	[tilespmem:s13], [sflag:$0x4] =	stream.strided.gather [hbm4b:s3+s6], $0x200, s7, s6, $0x38;
	[tilespmem:$0x6A80] =	vst v63  }
0x46: {  	s26 =	rddreg [dreg:$0x11];
	s3 =	simm.s32 $0x1A00  }
0x47: {  	[tilespmem:s3], [sflag:$0x4] =	stream.strided.gather [hbm4b:s26+s6], $0x200, s7, s6, $0x38;
	[tilespmem:$0x6A80] =	vst v63  }
0x48: {  	s26 =	rddreg [dreg:$0x12]  }
0x49: {  	[tilespmem:s14], [sflag:$0x5] =	stream.strided.gather [hbm4b:s26+s6], $0x200, s7, s6, $0x38;
	[tilespmem:$0x6A80] =	vst v63  }
0x4a: {  	s26 =	rddreg [dreg:$0x13]  }
0x4b: {  	[tilespmem:s15], [sflag:$0x5] =	stream.strided.gather [hbm4b:s26+s6], $0x200, s7, s6, $0x38;
	[tilespmem:$0x6A80] =	vst v63  }
0x4c: {  	s26 =	rddreg [dreg:$0x14]  }
0x4d: {  	[tilespmem:s18], [sflag:$0x5] =	stream.strided.gather [hbm4b:s26+s6], $0x200, s7, s6, $0x38;
	[tilespmem:$0x6A80] =	vst v63  }
0x4e: {  	s26 =	rddreg [dreg:$0x15]  }
0x4f: {  	[tilespmem:s19], [sflag:$0x6] =	stream.strided.gather [hbm4b:s26+s6], $0x200, s7, s6, $0x38;
	[tilespmem:$0x6A80] =	vst v63  }
0x50: {  	s26 =	rddreg [dreg:$0x17]  }
0x51: {  	[tilespmem:s20], [sflag:$0x6] =	stream.strided.gather [hbm4b:s26+s6], $0x200, s7, s6, $0x38;
	[tilespmem:$0x6A80] =	vst v63  }
0x52: {  	s26 =	rddreg [dreg:$0x19]  }
0x53: {  	[tilespmem:s21], [sflag:$0x6] =	stream.strided.gather [hbm4b:s26+s6], $0x200, s7, s6, $0x38;
	[tilespmem:$0x6A80] =	vst v63  }
0x54: {  	s26 =	rddreg [dreg:$0x1a]  }
0x55: {  	[tilespmem:s22], [sflag:$0x7] =	stream.strided.gather [hbm4b:s26+s6], $0x200, s7, s6, $0x38;
	[tilespmem:$0x6A80] =	vst v63  }
0x56: {  	s26 =	rddreg [dreg:$0x1b]  }
0x57: {  	[tilespmem:s23], [sflag:$0x7] =	stream.strided.gather [hbm4b:s26+s6], $0x200, s7, s6, $0x38;
	[tilespmem:$0x6A80] =	vst v63  }
0x58: {  	s26 =	rddreg [dreg:$0x1c]  }
0x59: {  	[tilespmem:s11], [sflag:$0x7] =	stream.strided.gather [hbm4b:s26+s6], $0x200, s7, s6, $0x38;
	[tilespmem:$0x6A80] =	vst v63  }
0x5a: {  	s26 =	rddreg [dreg:$0x1d]  }
0x5b: {  	[tilespmem:s31], [sflag:$0x8] =	stream.strided.gather [hbm4b:s26+s6], $0x200, s7, s6, $0x38;
	[tilespmem:$0x6A80] =	vst v63  }
0x5c: {  	s26 =	rddreg [dreg:$0x1e]  }
0x5d: {  	[tilespmem:s16], [sflag:$0x8] =	stream.strided.gather [hbm4b:s26+s6], $0x200, s7, s6, $0x38;
	[tilespmem:$0x6A80] =	vst v63  }
0x5e: {  	s26 =	rddreg [dreg:$0x1f]  }
0x5f: {  	[tilespmem:s17], [sflag:$0x8] =	stream.strided.gather [hbm4b:s26+s6], $0x200, s7, s6, $0x38;
	[tilespmem:$0x6A80] =	vst v63  }
0x60: {  	s26 =	simm.s32 $0x1  }
0x61: {  	_ =	swait.ge [sflag:s26], $0x200  }
0x62: {  	[sflag:s26] =	ssyncset.done $0x0  }
0x63: {  	[sflag:s26] =	ssyncadd.s32 $0xFFFFFE00  }
0x64: {  	_ =	swait.ge [sflag:s26], $0x200  }
0x65: {  	[sflag:s26] =	ssyncset.done $0x0  }
0x66: {  	[sflag:s26] =	ssyncadd.s32 $0xFFFFFE00  }
0x67: {  	_ =	swait.ge [sflag:s26], $0x200  }
0x68: {  	[sflag:s26] =	ssyncset.done $0x0  }
0x69: {  	[sflag:s26] =	ssyncadd.s32 $0xFFFFFE00  }
0x6a: {  	_ =	swait.ge [sflag:s26], $0x200  }
0x6b: {  	[sflag:s26] =	ssyncset.done $0x0  }
0x6c: {  	s2 =	simm.s32 $0x0;
	[sflag:s26] =	ssyncadd.s32 $0xFFFFFE00;
	s26 =	simm.s32 $0x3400  }
0x6d: {  	[tilespmem:s26], [sflag:$0x9] =	stream.indirect.gather [hbm4b:s1+s8], $0x1, s2, s8, $0xb8;
	[tilespmem:$0x6A80] =	vst v63  }
0x6e: {  	s9 =	simm.s32 $0x3600  }
0x6f: {  	[tilespmem:s9], [sflag:$0x9] =	stream.indirect.gather [hbm4b:s1+s8], $0x1, s8, s8, $0xb8;
	[tilespmem:$0x6A80] =	vst v63  }
0x70: {  	s9 =	simm.s32 $0x3800  }
0x71: {  	[tilespmem:s9], [sflag:$0x9] =	stream.indirect.gather [hbm4b:s1+s8], $0x1, s7, s8, $0xb8;
	[tilespmem:$0x6A80] =	vst v63  }
0x72: {  	s9 =	simm.s32 $0x3A00  }
0x73: {  	[tilespmem:s9], [sflag:$0x9] =	stream.indirect.gather [hbm4b:s1+s8], $0x1, s10, s8, $0xb8;
	[tilespmem:$0x6A80] =	vst v63  }
0x74: {  	s9 =	simm.s32 $0x2  }
0x75: {  	_ =	swait.ge [sflag:s9], $0x200  }
0x76: {  	[sflag:s9] =	ssyncset.done $0x0  }
0x77: {  	[sflag:s9] =	ssyncadd.s32 $0xFFFFFE00  }
0x78: {  	_ =	swait.ge [sflag:s9], $0x200  }
0x79: {  	[sflag:s9] =	ssyncset.done $0x0  }
0x7a: {  	[sflag:s9] =	ssyncadd.s32 $0xFFFFFE00  }
0x7b: {  	_ =	swait.ge [sflag:s9], $0x200  }
0x7c: {  	[sflag:s9] =	ssyncset.done $0x0  }
0x7d: {  	[sflag:s9] =	ssyncadd.s32 $0xFFFFFE00  }
0x7e: {  	_ =	swait.ge [sflag:s9], $0x200  }
0x7f: {  	[sflag:s9] =	ssyncset.done $0x0  }
0x80: {  	s10 =	simm.s32 $0x3C00;
	[sflag:s9] =	ssyncadd.s32 $0xFFFFFE00  }
0x81: {  	[tilespmem:s10], [sflag:$0xA] =	stream.indirect.gather [hbm4b:s1+s8], $0x1, s28, s8, $0xb8;
	[tilespmem:$0x6A80] =	vst v63  }
0x82: {  	s9 =	simm.s32 $0x3E00  }
0x83: {  	[tilespmem:s9], [sflag:$0xA] =	stream.indirect.gather [hbm4b:s1+s8], $0x1, s29, s8, $0xb8;
	[tilespmem:$0x6A80] =	vst v63  }
0x84: {  	s10 =	simm.s32 $0x4000  }
0x85: {  	[tilespmem:s10], [sflag:$0xA] =	stream.indirect.gather [hbm4b:s1+s8], $0x1, s30, s8, $0xb8;
	[tilespmem:$0x6A80] =	vst v63  }
0x86: {  	s9 =	simm.s32 $0x4200;
	s10 =	simm.s32 $0x3  }
0x87: {  	[tilespmem:s9], [sflag:$0xA] =	stream.indirect.gather [hbm4b:s1+s8], $0x1, s24, s8, $0xb8;
	[tilespmem:$0x6A80] =	vst v63  }
0x88: {  	_ =	swait.ge [sflag:s10], $0x200  }
0x89: {  	[sflag:s10] =	ssyncset.done $0x0  }
0x8a: {  	[sflag:s10] =	ssyncadd.s32 $0xFFFFFE00  }
0x8b: {  	_ =	swait.ge [sflag:s10], $0x200  }
0x8c: {  	[sflag:s10] =	ssyncset.done $0x0  }
0x8d: {  	[sflag:s10] =	ssyncadd.s32 $0xFFFFFE00  }
0x8e: {  	_ =	swait.ge [sflag:s10], $0x200  }
0x8f: {  	[sflag:s10] =	ssyncset.done $0x0  }
0x90: {  	s9 =	simm.s32 $0x4400;
	[sflag:s10] =	ssyncadd.s32 $0xFFFFFE00  }
0x91: {  	[tilespmem:s9], [sflag:$0xB] =	stream.indirect.gather [hbm4b:s1+s8], $0x1, s5, s8, $0xb8;
	[tilespmem:$0x6A80] =	vst v63  }
0x92: {  	s10 =	simm.s32 $0x4600  }
0x93: {  	[tilespmem:s10], [sflag:$0xB] =	stream.indirect.gather [hbm4b:s1+s8], $0x1, s4, s8, $0xb8;
	[tilespmem:$0x6A80] =	vst v63  }
0x94: {  	s5 =	simm.s32 $0x4800;
	s9 =	simm.s32 $0x4  }
0x95: {  	[tilespmem:s5], [sflag:$0xB] =	stream.indirect.gather [hbm4b:s1+s8], $0x1, s12, s8, $0xb8;
	[tilespmem:$0x6A80] =	vst v63  }
0x96: {  	_ =	swait.ge [sflag:s9], $0x200  }
0x97: {  	[sflag:s9] =	ssyncset.done $0x0  }
0x98: {  	[sflag:s9] =	ssyncadd.s32 $0xFFFFFE00  }
0x99: {  	_ =	swait.ge [sflag:s9], $0x200  }
0x9a: {  	[sflag:s9] =	ssyncset.done $0x0  }
0x9b: {  	[sflag:s9] =	ssyncadd.s32 $0xFFFFFE00  }
0x9c: {  	_ =	swait.ge [sflag:s9], $0x200  }
0x9d: {  	[sflag:s9] =	ssyncset.done $0x0  }
0x9e: {  	s10 =	simm.s32 $0x4A00;
	[sflag:s9] =	ssyncadd.s32 $0xFFFFFE00  }
0x9f: {  	[tilespmem:s10], [sflag:$0xC] =	stream.indirect.gather [hbm4b:s1+s8], $0x1, s0, s8, $0xb8;
	[tilespmem:$0x6A80] =	vst v63  }
0xa0: {  	s5 =	simm.s32 $0x4C00  }
0xa1: {  	[tilespmem:s5], [sflag:$0xC] =	stream.indirect.gather [hbm4b:s1+s8], $0x1, s13, s8, $0xb8;
	[tilespmem:$0x6A80] =	vst v63  }
0xa2: {  	s9 =	simm.s32 $0x4E00;
	s10 =	simm.s32 $0x5  }
0xa3: {  	[tilespmem:s9], [sflag:$0xC] =	stream.indirect.gather [hbm4b:s1+s8], $0x1, s3, s8, $0xb8;
	[tilespmem:$0x6A80] =	vst v63  }
0xa4: {  	_ =	swait.ge [sflag:s10], $0x200  }
0xa5: {  	[sflag:s10] =	ssyncset.done $0x0  }
0xa6: {  	[sflag:s10] =	ssyncadd.s32 $0xFFFFFE00  }
0xa7: {  	_ =	swait.ge [sflag:s10], $0x200  }
0xa8: {  	[sflag:s10] =	ssyncset.done $0x0  }
0xa9: {  	[sflag:s10] =	ssyncadd.s32 $0xFFFFFE00  }
0xaa: {  	_ =	swait.ge [sflag:s10], $0x200  }
0xab: {  	[sflag:s10] =	ssyncset.done $0x0  }
0xac: {  	s2 =	simm.s32 $0x5000;
	[sflag:s10] =	ssyncadd.s32 $0xFFFFFE00  }
0xad: {  	[tilespmem:s2], [sflag:$0xD] =	stream.indirect.gather [hbm4b:s1+s8], $0x1, s14, s8, $0xb8;
	[tilespmem:$0x6A80] =	vst v63  }
0xae: {  	s5 =	simm.s32 $0x5200  }
0xaf: {  	[tilespmem:s5], [sflag:$0xD] =	stream.indirect.gather [hbm4b:s1+s8], $0x1, s15, s8, $0xb8;
	[tilespmem:$0x6A80] =	vst v63  }
0xb0: {  	s9 =	simm.s32 $0x5400;
	s10 =	simm.s32 $0x6  }
0xb1: {  	[tilespmem:s9], [sflag:$0xD] =	stream.indirect.gather [hbm4b:s1+s8], $0x1, s18, s8, $0xb8;
	[tilespmem:$0x6A80] =	vst v63  }
0xb2: {  	_ =	swait.ge [sflag:s10], $0x200  }
0xb3: {  	[sflag:s10] =	ssyncset.done $0x0  }
0xb4: {  	[sflag:s10] =	ssyncadd.s32 $0xFFFFFE00  }
0xb5: {  	_ =	swait.ge [sflag:s10], $0x200  }
0xb6: {  	[sflag:s10] =	ssyncset.done $0x0  }
0xb7: {  	[sflag:s10] =	ssyncadd.s32 $0xFFFFFE00  }
0xb8: {  	_ =	swait.ge [sflag:s10], $0x200  }
0xb9: {  	[sflag:s10] =	ssyncset.done $0x0  }
0xba: {  	s2 =	simm.s32 $0x5600;
	[sflag:s10] =	ssyncadd.s32 $0xFFFFFE00  }
0xbb: {  	[tilespmem:s2], [sflag:$0xE] =	stream.indirect.gather [hbm4b:s1+s8], $0x1, s19, s8, $0xb8;
	[tilespmem:$0x6A80] =	vst v63  }
0xbc: {  	s5 =	simm.s32 $0x5800  }
0xbd: {  	[tilespmem:s5], [sflag:$0xE] =	stream.indirect.gather [hbm4b:s1+s8], $0x1, s20, s8, $0xb8;
	[tilespmem:$0x6A80] =	vst v63  }
0xbe: {  	s9 =	simm.s32 $0x5A00;
	s10 =	simm.s32 $0x7  }
0xbf: {  	[tilespmem:s9], [sflag:$0xE] =	stream.indirect.gather [hbm4b:s1+s8], $0x1, s21, s8, $0xb8;
	[tilespmem:$0x6A80] =	vst v63  }
0xc0: {  	_ =	swait.ge [sflag:s10], $0x200  }
0xc1: {  	[sflag:s10] =	ssyncset.done $0x0  }
0xc2: {  	[sflag:s10] =	ssyncadd.s32 $0xFFFFFE00  }
0xc3: {  	_ =	swait.ge [sflag:s10], $0x200  }
0xc4: {  	[sflag:s10] =	ssyncset.done $0x0  }
0xc5: {  	[sflag:s10] =	ssyncadd.s32 $0xFFFFFE00  }
0xc6: {  	_ =	swait.ge [sflag:s10], $0x200  }
0xc7: {  	[sflag:s10] =	ssyncset.done $0x0  }
0xc8: {  	s2 =	simm.s32 $0x5C00;
	[sflag:s10] =	ssyncadd.s32 $0xFFFFFE00  }
0xc9: {  	[tilespmem:s2], [sflag:$0xF] =	stream.indirect.gather [hbm4b:s1+s8], $0x1, s22, s8, $0xb8;
	[tilespmem:$0x6A80] =	vst v63  }
0xca: {  	s5 =	simm.s32 $0x5E00  }
0xcb: {  	[tilespmem:s5], [sflag:$0xF] =	stream.indirect.gather [hbm4b:s1+s8], $0x1, s23, s8, $0xb8;
	[tilespmem:$0x6A80] =	vst v63  }
0xcc: {  	s9 =	simm.s32 $0x6000;
	s10 =	simm.s32 $0x8  }
0xcd: {  	[tilespmem:s9], [sflag:$0xF] =	stream.indirect.gather [hbm4b:s1+s8], $0x1, s11, s8, $0xb8;
	[tilespmem:$0x6A80] =	vst v63  }
0xce: {  	_ =	swait.ge [sflag:s10], $0x200  }
0xcf: {  	[sflag:s10] =	ssyncset.done $0x0  }
0xd0: {  	[sflag:s10] =	ssyncadd.s32 $0xFFFFFE00  }
0xd1: {  	_ =	swait.ge [sflag:s10], $0x200  }
0xd2: {  	[sflag:s10] =	ssyncset.done $0x0  }
0xd3: {  	[sflag:s10] =	ssyncadd.s32 $0xFFFFFE00  }
0xd4: {  	_ =	swait.ge [sflag:s10], $0x200  }
0xd5: {  	[sflag:s10] =	ssyncset.done $0x0  }
0xd6: {  	s2 =	simm.s32 $0x6200;
	[sflag:s10] =	ssyncadd.s32 $0xFFFFFE00  }
0xd7: {  	[tilespmem:s2], [sflag:$0x10] =	stream.indirect.gather [hbm4b:s1+s8], $0x1, s31, s8, $0xb8;
	[tilespmem:$0x6A80] =	vst v63  }
0xd8: {  	s5 =	simm.s32 $0x6400  }
0xd9: {  	[tilespmem:s5], [sflag:$0x10] =	stream.indirect.gather [hbm4b:s1+s8], $0x1, s16, s8, $0xb8;
	[tilespmem:$0x6A80] =	vst v63  }
0xda: {  	s9 =	simm.s32 $0x6600;
	s10 =	simm.s32 $0x9  }
0xdb: {  	[tilespmem:s9], [sflag:$0x10] =	stream.indirect.gather [hbm4b:s1+s8], $0x1, s17, s8, $0xb8;
	[tilespmem:$0x6A80] =	vst v63  }
0xdc: {  	v0 =	vld [tilespmem:$0x6A00];
	_ =	swait.ge [sflag:s10], $0x200  }
0xdd: {  	[sflag:s10] =	ssyncset.done $0x0  }
0xde: {  	[sflag:s10] =	ssyncadd.s32 $0xFFFFFE00  }
0xdf: {  	_ =	swait.ge [sflag:s10], $0x200  }
0xe0: {  	[sflag:s10] =	ssyncset.done $0x0  }
0xe1: {  	[sflag:s10] =	ssyncadd.s32 $0xFFFFFE00  }
0xe2: {  	_ =	swait.ge [sflag:s10], $0x200  }
0xe3: {  	[sflag:s10] =	ssyncset.done $0x0  }
0xe4: {  	[sflag:s10] =	ssyncadd.s32 $0xFFFFFE00  }
0xe5: {  	_ =	swait.ge [sflag:s10], $0x200  }
0xe6: {  	[sflag:s10] =	ssyncset.done $0x0  }
0xe7: {  	[sflag:s10] =	ssyncadd.s32 $0xFFFFFE00  }
0xe8: {  	s4 =	simm.s32 $0x0;
	v1 =	vld [tilespmem:s26+$0x0]  }
0xe9: {  	s26 =	sand.u32 $0x1F0, s4  }
0xea: {  	v2 =	vld [tilespmem:s26+$0x3600];
	_ =	sdelay $0x1  }
0xeb: {  	v3 =	vld [tilespmem:s26+$0x3800]  }
0xec: {  	v1 =	vadd.f32 v1, v0  }
0xed: {  	v4 =	vld [tilespmem:s26+$0x3A00]  }
0xee: {  	v1 =	vadd.f32 v2, v1;
	_ =	sdelay $0x1  }
0xef: {  	v1 =	vadd.f32 v3, v1;
	_ =	sdelay $0x1  }
0xf0: {  	v1 =	vadd.f32 v4, v1  }
0xf1: {  	s3 =	simm.s32 $0x6800  }
0xf2: {  	s28 =	simm.s32 $0x3410;
	[tilespmem:s3+$0x0] =	vst v1  }
0xf3: {  	s29 =	simm.s32 $0x20;
	s9 =	simm.s32 $0x10;
	s26 =	simm.s32 $0x6800;
	v1 =	vld [tilespmem:s28+$0x0]  }
.LBB2_2:
0xf4: {  	p0 =	sne.s32 s29, $0x1F0;
	s10 =	sand.u32 $0x1F0, s9;
	s9 =	smov.u32 s29  }
0xf5: {  	v2 =	vld [tilespmem:s10+$0x3600];
	_ =	sdelay $0x1  }
0xf6: {  	v3 =	vld [tilespmem:s10+$0x3800]  }
0xf7: {  	v1 =	vadd.f32 v1, v0  }
0xf8: {  	v4 =	vld [tilespmem:s10+$0x3A00]  }
0xf9: {  	v1 =	vadd.f32 v2, v1;
	_ =	sdelay $0x1  }
0xfa: {  	v1 =	vadd.f32 v3, v1  }
.Ltmp0:
0xfb: {  	(pc) =	sbr.rel @p0 .LBB2_2-.Ltmp0, $4  }
0xfc: {  	v1 =	vadd.f32 v4, v1  }
0xfd: {  	s26 =	sadd.s32 $0x10, s26  }
0xfe: {  	s28 =	sadd.s32 $0x10, s28;
	[tilespmem:s26+$0x0] =	vst v1  }
0xff: {  	s29 =	sadd.s32 $0x10, s29;
	v1 =	vld [tilespmem:s28+$0x0]  }
0x100: {  	s9 =	sand.u32 $0x1F0, s9  }
0x101: {  	v2 =	vld [tilespmem:s9+$0x3600];
	_ =	sdelay $0x1  }
0x102: {  	v3 =	vld [tilespmem:s9+$0x3800]  }
0x103: {  	v0 =	vadd.f32 v1, v0  }
0x104: {  	v1 =	vld [tilespmem:s9+$0x3A00]  }
0x105: {  	v0 =	vadd.f32 v2, v0;
	_ =	sdelay $0x1  }
0x106: {  	v0 =	vadd.f32 v3, v0;
	_ =	sdelay $0x1  }
0x107: {  	v0 =	vadd.f32 v1, v0  }
0x108: {  	s26 =	sadd.s32 $0x10, s26  }
0x109: {  	s0 =	simm.s32 $0xA;
	[tilespmem:s26+$0x0] =	vst v0  }
0x10a: {  	_ =	swait.ge [sflag:s0], $0x200  }
0x10b: {  	[sflag:s0] =	ssyncset.done $0x0  }
0x10c: {  	[sflag:s0] =	ssyncadd.s32 $0xFFFFFE00  }
0x10d: {  	_ =	swait.ge [sflag:s0], $0x200  }
0x10e: {  	[sflag:s0] =	ssyncset.done $0x0  }
0x10f: {  	[sflag:s0] =	ssyncadd.s32 $0xFFFFFE00  }
0x110: {  	_ =	swait.ge [sflag:s0], $0x200  }
0x111: {  	[sflag:s0] =	ssyncset.done $0x0  }
0x112: {  	[sflag:s0] =	ssyncadd.s32 $0xFFFFFE00  }
0x113: {  	_ =	swait.ge [sflag:s0], $0x200  }
0x114: {  	s29 =	simm.s32 $0x0;
	[sflag:s0] =	ssyncset.done $0x0  }
0x115: {  	s28 =	sand.u32 $0x1F0, s29;
	[sflag:s0] =	ssyncadd.s32 $0xFFFFFE00  }
0x116: {  	s9 =	simm.s32 $0x10;
	s26 =	simm.s32 $0x6800;
	v0 =	vld [tilespmem:s28+$0x3C00]  }
.LBB2_4:
0x117: {  	p0 =	sne.s32 s9, $0x1F0;
	v1 =	vld [tilespmem:s26+$0x0];
	_ =	sdelay $0x1  }
0x118: {  	v2 =	vld [tilespmem:s28+$0x3E00];
	_ =	sdelay $0x1  }
0x119: {  	v3 =	vld [tilespmem:s28+$0x4000]  }
0x11a: {  	v0 =	vadd.f32 v0, v1  }
0x11b: {  	v1 =	vld [tilespmem:s28+$0x4200]  }
0x11c: {  	v0 =	vadd.f32 v2, v0;
	_ =	sdelay $0x1  }
0x11d: {  	v0 =	vadd.f32 v3, v0  }
.Ltmp1:
0x11e: {  	(pc) =	sbr.rel @p0 .LBB2_4-.Ltmp1, $3  }
0x11f: {  	v0 =	vadd.f32 v1, v0;
	_ =	sdelay $0x1  }
0x120: {  	s28 =	sand.u32 $0x1F0, s9;
	[tilespmem:s26+$0x0] =	vst v0  }
0x121: {  	s9 =	sadd.s32 $0x10, s9;
	s26 =	sadd.s32 $0x10, s26;
	v0 =	vld [tilespmem:s28+$0x3C00]  }
0x122: {  	v1 =	vld [tilespmem:s26+$0x0];
	_ =	sdelay $0x1  }
0x123: {  	v2 =	vld [tilespmem:s28+$0x3E00];
	_ =	sdelay $0x1  }
0x124: {  	v3 =	vld [tilespmem:s28+$0x4000]  }
0x125: {  	v0 =	vadd.f32 v0, v1  }
0x126: {  	v1 =	vld [tilespmem:s28+$0x4200]  }
0x127: {  	v0 =	vadd.f32 v2, v0;
	_ =	sdelay $0x1  }
0x128: {  	v0 =	vadd.f32 v3, v0;
	_ =	sdelay $0x1  }
0x129: {  	v0 =	vadd.f32 v1, v0;
	_ =	sdelay $0x1  }
0x12a: {  	s0 =	simm.s32 $0xB;
	[tilespmem:s26+$0x0] =	vst v0  }
0x12b: {  	_ =	swait.ge [sflag:s0], $0x200  }
0x12c: {  	[sflag:s0] =	ssyncset.done $0x0  }
0x12d: {  	[sflag:s0] =	ssyncadd.s32 $0xFFFFFE00  }
0x12e: {  	_ =	swait.ge [sflag:s0], $0x200  }
0x12f: {  	[sflag:s0] =	ssyncset.done $0x0  }
0x130: {  	[sflag:s0] =	ssyncadd.s32 $0xFFFFFE00  }
0x131: {  	_ =	swait.ge [sflag:s0], $0x200  }
0x132: {  	s9 =	simm.s32 $0x0;
	[sflag:s0] =	ssyncset.done $0x0  }
0x133: {  	s28 =	sand.u32 $0x1F0, s9;
	[sflag:s0] =	ssyncadd.s32 $0xFFFFFE00  }
0x134: {  	s2 =	simm.s32 $0x11;
	s9 =	simm.s32 $0x10;
	s26 =	simm.s32 $0x6800;
	v0 =	vld [tilespmem:s28+$0x4400]  }
.LBB2_6:
0x135: {  	p0 =	sne.s32 s9, $0x1F0;
	v1 =	vld [tilespmem:s26+$0x0];
	_ =	sdelay $0x1  }
0x136: {  	v2 =	vld [tilespmem:s28+$0x4600];
	_ =	sdelay $0x1  }
0x137: {  	v3 =	vld [tilespmem:s28+$0x4800]  }
0x138: {  	v0 =	vadd.f32 v0, v1;
	_ =	sdelay $0x1  }
0x139: {  	v0 =	vadd.f32 v2, v0  }
.Ltmp2:
0x13a: {  	(pc) =	sbr.rel @p0 .LBB2_6-.Ltmp2, $3  }
0x13b: {  	v0 =	vadd.f32 v3, v0;
	_ =	sdelay $0x1  }
0x13c: {  	s28 =	sand.u32 $0x1F0, s9;
	[tilespmem:s26+$0x0] =	vst v0  }
0x13d: {  	s9 =	sadd.s32 $0x10, s9;
	s26 =	sadd.s32 $0x10, s26;
	v0 =	vld [tilespmem:s28+$0x4400]  }
0x13e: {  	v1 =	vld [tilespmem:s26+$0x0];
	_ =	sdelay $0x1  }
0x13f: {  	v2 =	vld [tilespmem:s28+$0x4600];
	_ =	sdelay $0x1  }
0x140: {  	v3 =	vld [tilespmem:s28+$0x4800]  }
0x141: {  	v0 =	vadd.f32 v0, v1;
	_ =	sdelay $0x1  }
0x142: {  	v0 =	vadd.f32 v2, v0;
	_ =	sdelay $0x1  }
0x143: {  	v0 =	vadd.f32 v3, v0;
	_ =	sdelay $0x1  }
0x144: {  	s0 =	simm.s32 $0xC;
	[tilespmem:s26+$0x0] =	vst v0  }
0x145: {  	_ =	swait.ge [sflag:s0], $0x200  }
0x146: {  	[sflag:s0] =	ssyncset.done $0x0  }
0x147: {  	[sflag:s0] =	ssyncadd.s32 $0xFFFFFE00  }
0x148: {  	_ =	swait.ge [sflag:s0], $0x200  }
0x149: {  	[sflag:s0] =	ssyncset.done $0x0  }
0x14a: {  	[sflag:s0] =	ssyncadd.s32 $0xFFFFFE00  }
0x14b: {  	_ =	swait.ge [sflag:s0], $0x200  }
0x14c: {  	s9 =	simm.s32 $0x0;
	[sflag:s0] =	ssyncset.done $0x0  }
0x14d: {  	s28 =	sand.u32 $0x1F0, s9;
	[sflag:s0] =	ssyncadd.s32 $0xFFFFFE00  }
0x14e: {  	s9 =	simm.s32 $0x10;
	s26 =	simm.s32 $0x6800;
	v0 =	vld [tilespmem:s28+$0x4A00]  }
.LBB2_8:
0x14f: {  	p0 =	sne.s32 s9, $0x1F0;
	v1 =	vld [tilespmem:s26+$0x0];
	_ =	sdelay $0x1  }
0x150: {  	v2 =	vld [tilespmem:s28+$0x4C00];
	_ =	sdelay $0x1  }
0x151: {  	v3 =	vld [tilespmem:s28+$0x4E00]  }
0x152: {  	v0 =	vadd.f32 v0, v1;
	_ =	sdelay $0x1  }
0x153: {  	v0 =	vadd.f32 v2, v0  }
.Ltmp3:
0x154: {  	(pc) =	sbr.rel @p0 .LBB2_8-.Ltmp3, $3  }
0x155: {  	v0 =	vadd.f32 v3, v0;
	_ =	sdelay $0x1  }
0x156: {  	s28 =	sand.u32 $0x1F0, s9;
	[tilespmem:s26+$0x0] =	vst v0  }
0x157: {  	s9 =	sadd.s32 $0x10, s9;
	s26 =	sadd.s32 $0x10, s26;
	v0 =	vld [tilespmem:s28+$0x4A00]  }
0x158: {  	v1 =	vld [tilespmem:s26+$0x0];
	_ =	sdelay $0x1  }
0x159: {  	v2 =	vld [tilespmem:s28+$0x4C00];
	_ =	sdelay $0x1  }
0x15a: {  	v3 =	vld [tilespmem:s28+$0x4E00]  }
0x15b: {  	v0 =	vadd.f32 v0, v1;
	_ =	sdelay $0x1  }
0x15c: {  	v0 =	vadd.f32 v2, v0;
	_ =	sdelay $0x1  }
0x15d: {  	v0 =	vadd.f32 v3, v0;
	_ =	sdelay $0x1  }
0x15e: {  	s0 =	simm.s32 $0xD;
	[tilespmem:s26+$0x0] =	vst v0  }
0x15f: {  	_ =	swait.ge [sflag:s0], $0x200  }
0x160: {  	[sflag:s0] =	ssyncset.done $0x0  }
0x161: {  	[sflag:s0] =	ssyncadd.s32 $0xFFFFFE00  }
0x162: {  	_ =	swait.ge [sflag:s0], $0x200  }
0x163: {  	[sflag:s0] =	ssyncset.done $0x0  }
0x164: {  	[sflag:s0] =	ssyncadd.s32 $0xFFFFFE00  }
0x165: {  	_ =	swait.ge [sflag:s0], $0x200  }
0x166: {  	s9 =	simm.s32 $0x0;
	[sflag:s0] =	ssyncset.done $0x0  }
0x167: {  	s28 =	sand.u32 $0x1F0, s9;
	[sflag:s0] =	ssyncadd.s32 $0xFFFFFE00  }
0x168: {  	s9 =	simm.s32 $0x10;
	s26 =	simm.s32 $0x6800;
	v0 =	vld [tilespmem:s28+$0x5000]  }
.LBB2_10:
0x169: {  	p0 =	sne.s32 s9, $0x1F0;
	v1 =	vld [tilespmem:s26+$0x0];
	_ =	sdelay $0x1  }
0x16a: {  	v2 =	vld [tilespmem:s28+$0x5200];
	_ =	sdelay $0x1  }
0x16b: {  	v3 =	vld [tilespmem:s28+$0x5400]  }
0x16c: {  	v0 =	vadd.f32 v0, v1;
	_ =	sdelay $0x1  }
0x16d: {  	v0 =	vadd.f32 v2, v0  }
.Ltmp4:
0x16e: {  	(pc) =	sbr.rel @p0 .LBB2_10-.Ltmp4, $3  }
0x16f: {  	v0 =	vadd.f32 v3, v0;
	_ =	sdelay $0x1  }
0x170: {  	s28 =	sand.u32 $0x1F0, s9;
	[tilespmem:s26+$0x0] =	vst v0  }
0x171: {  	s9 =	sadd.s32 $0x10, s9;
	s26 =	sadd.s32 $0x10, s26;
	v0 =	vld [tilespmem:s28+$0x5000]  }
0x172: {  	v1 =	vld [tilespmem:s26+$0x0];
	_ =	sdelay $0x1  }
0x173: {  	v2 =	vld [tilespmem:s28+$0x5200];
	_ =	sdelay $0x1  }
0x174: {  	v3 =	vld [tilespmem:s28+$0x5400]  }
0x175: {  	v0 =	vadd.f32 v0, v1;
	_ =	sdelay $0x1  }
0x176: {  	v0 =	vadd.f32 v2, v0;
	_ =	sdelay $0x1  }
0x177: {  	v0 =	vadd.f32 v3, v0;
	_ =	sdelay $0x1  }
0x178: {  	s0 =	simm.s32 $0xE;
	[tilespmem:s26+$0x0] =	vst v0  }
0x179: {  	_ =	swait.ge [sflag:s0], $0x200  }
0x17a: {  	[sflag:s0] =	ssyncset.done $0x0  }
0x17b: {  	[sflag:s0] =	ssyncadd.s32 $0xFFFFFE00  }
0x17c: {  	_ =	swait.ge [sflag:s0], $0x200  }
0x17d: {  	[sflag:s0] =	ssyncset.done $0x0  }
0x17e: {  	[sflag:s0] =	ssyncadd.s32 $0xFFFFFE00  }
0x17f: {  	_ =	swait.ge [sflag:s0], $0x200  }
0x180: {  	s9 =	simm.s32 $0x0;
	[sflag:s0] =	ssyncset.done $0x0  }
0x181: {  	s28 =	sand.u32 $0x1F0, s9;
	[sflag:s0] =	ssyncadd.s32 $0xFFFFFE00  }
0x182: {  	s9 =	simm.s32 $0x10;
	s26 =	simm.s32 $0x6800;
	v0 =	vld [tilespmem:s28+$0x5600]  }
.LBB2_12:
0x183: {  	p0 =	sne.s32 s9, $0x1F0;
	v1 =	vld [tilespmem:s26+$0x0];
	_ =	sdelay $0x1  }
0x184: {  	v2 =	vld [tilespmem:s28+$0x5800];
	_ =	sdelay $0x1  }
0x185: {  	v3 =	vld [tilespmem:s28+$0x5A00]  }
0x186: {  	v0 =	vadd.f32 v0, v1;
	_ =	sdelay $0x1  }
0x187: {  	v0 =	vadd.f32 v2, v0  }
.Ltmp5:
0x188: {  	(pc) =	sbr.rel @p0 .LBB2_12-.Ltmp5, $3  }
0x189: {  	v0 =	vadd.f32 v3, v0;
	_ =	sdelay $0x1  }
0x18a: {  	s28 =	sand.u32 $0x1F0, s9;
	[tilespmem:s26+$0x0] =	vst v0  }
0x18b: {  	s9 =	sadd.s32 $0x10, s9;
	s26 =	sadd.s32 $0x10, s26;
	v0 =	vld [tilespmem:s28+$0x5600]  }
0x18c: {  	v1 =	vld [tilespmem:s26+$0x0];
	_ =	sdelay $0x1  }
0x18d: {  	v2 =	vld [tilespmem:s28+$0x5800];
	_ =	sdelay $0x1  }
0x18e: {  	v3 =	vld [tilespmem:s28+$0x5A00]  }
0x18f: {  	v0 =	vadd.f32 v0, v1;
	_ =	sdelay $0x1  }
0x190: {  	v0 =	vadd.f32 v2, v0;
	_ =	sdelay $0x1  }
0x191: {  	v0 =	vadd.f32 v3, v0;
	_ =	sdelay $0x1  }
0x192: {  	s0 =	simm.s32 $0xF;
	[tilespmem:s26+$0x0] =	vst v0  }
0x193: {  	_ =	swait.ge [sflag:s0], $0x200  }
0x194: {  	[sflag:s0] =	ssyncset.done $0x0  }
0x195: {  	[sflag:s0] =	ssyncadd.s32 $0xFFFFFE00  }
0x196: {  	_ =	swait.ge [sflag:s0], $0x200  }
0x197: {  	[sflag:s0] =	ssyncset.done $0x0  }
0x198: {  	[sflag:s0] =	ssyncadd.s32 $0xFFFFFE00  }
0x199: {  	_ =	swait.ge [sflag:s0], $0x200  }
0x19a: {  	s9 =	simm.s32 $0x0;
	[sflag:s0] =	ssyncset.done $0x0  }
0x19b: {  	s28 =	sand.u32 $0x1F0, s9;
	[sflag:s0] =	ssyncadd.s32 $0xFFFFFE00  }
0x19c: {  	s9 =	simm.s32 $0x10;
	s26 =	simm.s32 $0x6800;
	v0 =	vld [tilespmem:s28+$0x5C00]  }
.LBB2_14:
0x19d: {  	p0 =	sne.s32 s9, $0x1F0;
	v1 =	vld [tilespmem:s26+$0x0];
	_ =	sdelay $0x1  }
0x19e: {  	v2 =	vld [tilespmem:s28+$0x5E00];
	_ =	sdelay $0x1  }
0x19f: {  	v3 =	vld [tilespmem:s28+$0x6000]  }
0x1a0: {  	v0 =	vadd.f32 v0, v1;
	_ =	sdelay $0x1  }
0x1a1: {  	v0 =	vadd.f32 v2, v0  }
.Ltmp6:
0x1a2: {  	(pc) =	sbr.rel @p0 .LBB2_14-.Ltmp6, $3  }
0x1a3: {  	v0 =	vadd.f32 v3, v0;
	_ =	sdelay $0x1  }
0x1a4: {  	s28 =	sand.u32 $0x1F0, s9;
	[tilespmem:s26+$0x0] =	vst v0  }
0x1a5: {  	s9 =	sadd.s32 $0x10, s9;
	s26 =	sadd.s32 $0x10, s26;
	v0 =	vld [tilespmem:s28+$0x5C00]  }
0x1a6: {  	v1 =	vld [tilespmem:s26+$0x0];
	_ =	sdelay $0x1  }
0x1a7: {  	v2 =	vld [tilespmem:s28+$0x5E00];
	_ =	sdelay $0x1  }
0x1a8: {  	v3 =	vld [tilespmem:s28+$0x6000]  }
0x1a9: {  	v0 =	vadd.f32 v0, v1;
	_ =	sdelay $0x1  }
0x1aa: {  	v0 =	vadd.f32 v2, v0;
	_ =	sdelay $0x1  }
0x1ab: {  	v0 =	vadd.f32 v3, v0;
	_ =	sdelay $0x1  }
0x1ac: {  	s0 =	simm.s32 $0x10;
	[tilespmem:s26+$0x0] =	vst v0  }
0x1ad: {  	_ =	swait.ge [sflag:s0], $0x200  }
0x1ae: {  	[sflag:s0] =	ssyncset.done $0x0  }
0x1af: {  	[sflag:s0] =	ssyncadd.s32 $0xFFFFFE00  }
0x1b0: {  	_ =	swait.ge [sflag:s0], $0x200  }
0x1b1: {  	[sflag:s0] =	ssyncset.done $0x0  }
0x1b2: {  	[sflag:s0] =	ssyncadd.s32 $0xFFFFFE00  }
0x1b3: {  	_ =	swait.ge [sflag:s0], $0x200  }
0x1b4: {  	s9 =	simm.s32 $0x0;
	[sflag:s0] =	ssyncset.done $0x0  }
0x1b5: {  	s28 =	sand.u32 $0x1F0, s9;
	[sflag:s0] =	ssyncadd.s32 $0xFFFFFE00  }
0x1b6: {  	s9 =	simm.s32 $0x10;
	s26 =	simm.s32 $0x6800;
	v0 =	vld [tilespmem:s28+$0x6200]  }
.LBB2_16:
0x1b7: {  	p0 =	sne.s32 s9, $0x1F0;
	v1 =	vld [tilespmem:s26+$0x0];
	_ =	sdelay $0x1  }
0x1b8: {  	v2 =	vld [tilespmem:s28+$0x6400];
	_ =	sdelay $0x1  }
0x1b9: {  	v3 =	vld [tilespmem:s28+$0x6600]  }
0x1ba: {  	v0 =	vadd.f32 v0, v1;
	_ =	sdelay $0x1  }
0x1bb: {  	v0 =	vadd.f32 v2, v0  }
.Ltmp7:
0x1bc: {  	(pc) =	sbr.rel @p0 .LBB2_16-.Ltmp7, $3  }
0x1bd: {  	v0 =	vadd.f32 v3, v0;
	_ =	sdelay $0x1  }
0x1be: {  	s28 =	sand.u32 $0x1F0, s9;
	[tilespmem:s26+$0x0] =	vst v0  }
0x1bf: {  	s9 =	sadd.s32 $0x10, s9;
	s26 =	sadd.s32 $0x10, s26;
	v0 =	vld [tilespmem:s28+$0x6200]  }
0x1c0: {  	v1 =	vld [tilespmem:s26+$0x0];
	_ =	sdelay $0x1  }
0x1c1: {  	v2 =	vld [tilespmem:s28+$0x6400];
	_ =	sdelay $0x1  }
0x1c2: {  	v3 =	vld [tilespmem:s28+$0x6600]  }
0x1c3: {  	v0 =	vadd.f32 v0, v1;
	_ =	sdelay $0x1  }
0x1c4: {  	v0 =	vadd.f32 v2, v0;
	_ =	sdelay $0x1  }
0x1c5: {  	v0 =	vadd.f32 v3, v0;
	_ =	sdelay $0x1  }
0x1c6: {  	s9 =	rddreg [dreg:$0x16];
	[tilespmem:s26+$0x0] =	vst v0  }
0x1c7: {  	[hbm4b:s9+s4] =	stream.linear.scatter [tilespmem:s3], [sflag:$0x11], $0x200, $0x38;
	[tilespmem:$0x6A80] =	vst v63  }
0x1c8: {  	_ =	swait.ge [sflag:s2], $0x200  }
0x1c9: {  	s25 =	sadd.s32 $0x1, s25;
	s29 =	rddreg [dreg:$0x18]  }
0x1ca: {  	p0 =	sne.s32 s25, s29  }
.Ltmp8:
0x1cb: {  	_ = 	snop;
	(pc) =	sbr.rel @p0 .LBB2_1-.Ltmp8, $3  }
0x1cc: {  	_ =	sdelay $0x1  }
0x1cd: {  	[sflag:s2] =	ssyncset.done $0x0  }
0x1ce: {  	[sflag:s2] =	ssyncadd.s32 $0xFFFFFE00  }
0x1cf: {  	_ =	sfence.sel $0x180000  }
0x1d0: {  	[bflag:$0x0] =	sbarrier.arrive $0xFFFF  }
0x1d1: {  	_ =	strace $0x90000047  }
0x1d2: {  	s0 =	stileid.u32;
	[bflag:$0x2] =	sbarrier.arrive $0xFFFF  }
0x1d3: {  	p0 =	sne.s32 s0, $0x0;
	s0 =	rddreg [dreg:$0x4]  }
0x1d4: {  	s0 =	sadd.s32 @!p0 $0x100000, s0  }
0x1d5: {  	[sflag:s0] =	ssyncadd.tile.s32 @!p0 $0x1;
	_ =	shalt  }
.Lfunc_end2:
_tile_overlayer_lowered:
.L_overlay_start_2:
0x1d6: {  	(tag) =	ssettag $0x2  }
0x1d7: {  	s0 =	rddreg [dreg:$0x0];
	s2 =	stileid.u32  }
0x1d8: {  	s1 =	rddreg [dreg:$0x1];
	p0 =	sne.s32 s2, $0x0  }
0x1d9: {  	s3 =	rddreg [dreg:$0x2];
	[bflag:$0x3] =	sbarrier.arrive $0xFFFF;
	s2 =	simm.s32 @!p0 $0x1C11  }
0x1da: {  	[timem:s3], [sflag:s2] =	dma.local @!p0 [hbm:s0], s1  }
0x1db: {  	s0 =	simm.s32 @!p0 $0x11  }
0x1dc: {  	_ =	swait.ge @!p0 [sflag:s0], s1  }
0x1dd: {  	s1 =	ssub.s32 @!p0 $0x0, s1;
	[sflag:s0] =	ssyncset.done @!p0 $0x0  }
0x1de: {  	[sflag:s0] =	ssyncadd.s32 @!p0 s1  }
0x1df: {  	[bflag:$0x3] =	sbarrier.arrive $0xFFFF  }
0x1e0: {  	_ =	shalt  }

</sc_bundles>
